<compile_context>
chip_gen: v7x
topology: tpu7x:2x2x1
jax: 0.10.2.dev20260603
libtpu: 0.0.44.dev20260713+nightly
codegen_flags: <defaults>
</compile_context>

<pallas_src>
import functools

import jax
import jax.numpy as jnp
import numpy as np
from jax import lax
from jax.experimental import pallas as pl
from jax.experimental.pallas import tpu as pltpu
from jax.experimental.pallas import tpu_sc as plsc

N = 10000
E = 160000
IN_F = 300
OUT_F = 150
OUTP = 160
W2 = 2 * OUTP
DEG_COL = OUT_F

NC = 2
NS = 16
NW = NC * NS
NP = 10240
ROWS_PER_TILE = NP // NS
EDGES_PER_TILE = E // NW
CHUNK = 50
NCHUNK = EDGES_PER_TILE // CHUNK

DEG_CHUNK = 8
DEG_LANE = 11

BM = 1000


def _perm_cols():
    p = np.arange(OUTP)
    g, r = p // 32, p % 32
    return g * 32 + 2 * (r % 16) + (r // 16)


def _matmul_body(x_ref, w_ref, o_ref):
    o_ref[...] = jnp.dot(x_ref[...], w_ref[...],
                         preferred_element_type=jnp.float32)


def _matmul(features, wcat):
    return pl.pallas_call(
        _matmul_body,
        grid=(N // BM,),
        in_specs=[pl.BlockSpec((BM, IN_F), lambda i: (i, 0)),
                  pl.BlockSpec((IN_F, W2), lambda i: (0, 0))],
        out_specs=pl.BlockSpec((BM, W2), lambda i: (i, 0)),
        out_shape=jax.ShapeDtypeStruct((N, W2), jnp.float32),
    )(features, wcat)


def _sc_edges(zcat, src, dst, ew, zinit):
    mesh = plsc.VectorSubcoreMesh(core_axis_name="c", subcore_axis_name="s")

    @functools.partial(
        pl.kernel,
        out_type=jax.ShapeDtypeStruct((NC, NP, OUTP), jnp.bfloat16),
        mesh=mesh,
        compiler_params=pltpu.CompilerParams(use_tc_tiling_on_sc=False,
                                             needs_layout_passes=False),
        scratch_types=[
            pltpu.VMEM_SHARED((NP, OUTP), jnp.bfloat16),
            pltpu.VMEM((NCHUNK + 1, CHUNK), jnp.int32),
            pltpu.VMEM((NCHUNK, CHUNK), jnp.int32),
            pltpu.VMEM((EDGES_PER_TILE + 16,), jnp.float32),
            pltpu.VMEM((CHUNK, W2), jnp.float32),
            pltpu.VMEM((CHUNK, W2), jnp.float32),
            pltpu.VMEM((CHUNK, OUTP), jnp.bfloat16),
            pltpu.VMEM((CHUNK, OUTP), jnp.bfloat16),
            pltpu.SemaphoreType.DMA,
            pltpu.SemaphoreType.DMA,
            pltpu.SemaphoreType.DMA,
        ],
    )
    def k(zcat_hbm, src_hbm, dst_hbm, ew_hbm, zinit_hbm, out_hbm,
          acc, srcall, dstall, wall, rows0, rows1, mbuf0, mbuf1,
          gsem0, gsem1, ssem):
        c = lax.axis_index("c")
        s = lax.axis_index("s")
        wid = c * NS + s

        pltpu.sync_copy(zinit_hbm,
                        acc.at[pl.ds(s * ROWS_PER_TILE, ROWS_PER_TILE)])
        pltpu.sync_copy(src_hbm.at[wid], srcall.at[pl.ds(0, NCHUNK)])
        pltpu.sync_copy(src_hbm.at[wid, 0], srcall.at[NCHUNK])
        pltpu.sync_copy(dst_hbm.at[wid], dstall)
        pltpu.sync_copy(ew_hbm.at[wid], wall.at[pl.ds(0, EDGES_PER_TILE)])
        plsc.subcore_barrier()

        lanes = lax.iota(jnp.int32, 16)
        deg_onehot = jnp.where(lanes == DEG_LANE,
                               jnp.float32(1.0), jnp.float32(0.0))

        def start_gather(kk, rows, gsem):
            pltpu.async_copy(zcat_hbm.at[srcall.at[kk]], rows, gsem)

        def wait_gather(kk, rows, gsem):
            pltpu.make_async_copy(zcat_hbm.at[srcall.at[kk]], rows, gsem).wait()

        def compute(kk, rows, mbuf):
            def edge_body(e, carry2):
                wb = jnp.full((16,), wall[pl.ds(kk * CHUNK + e, 16)][0])
                m = []
                for cidx in range(OUTP // 16):
                    za = rows[e, pl.ds(cidx * 16, 16)]
                    zb = rows[e, pl.ds(OUTP + cidx * 16, 16)]
                    mc = wb * za + zb
                    if cidx == DEG_CHUNK:
                        mc = mc + deg_onehot
                    m.append(mc)
                for g in range(OUTP // 32):
                    mbuf[e, pl.ds(g * 32, 32)] = plsc.pack(
                        m[2 * g], m[2 * g + 1],
                        format=plsc.PackFormat.INTERLEAVED)
                return carry2

            lax.fori_loop(0, CHUNK, edge_body, 0)

        def start_scatter(kk, mbuf):
            pltpu.async_copy(mbuf, acc.at[dstall.at[kk]], ssem, add=True)

        def wait_scatter(kk, mbuf):
            pltpu.make_async_copy(mbuf, acc.at[dstall.at[kk]], ssem).wait()

        def process(kk, rows_cur, gsem_cur, mbuf_cur,
                    rows_nxt, gsem_nxt):
            wait_gather(kk, rows_cur, gsem_cur)
            start_gather(kk + 1, rows_nxt, gsem_nxt)

            @pl.when(kk > 1)
            def _():
                wait_scatter(kk - 2, mbuf_cur)

            compute(kk, rows_cur, mbuf_cur)
            start_scatter(kk, mbuf_cur)

        start_gather(0, rows0, gsem0)

        def pair_body(p, carry):
            process(2 * p, rows0, gsem0, mbuf0, rows1, gsem1)
            process(2 * p + 1, rows1, gsem1, mbuf1, rows0, gsem0)
            return carry

        lax.fori_loop(0, NCHUNK // 2, pair_body, 0)

        wait_gather(NCHUNK, rows0, gsem0)
        wait_scatter(NCHUNK - 2, mbuf0)
        wait_scatter(NCHUNK - 1, mbuf1)
        plsc.subcore_barrier()

        pltpu.sync_copy(acc.at[pl.ds(s * ROWS_PER_TILE, ROWS_PER_TILE)],
                        out_hbm.at[c, pl.ds(s * ROWS_PER_TILE, ROWS_PER_TILE)])

    return k(zcat, src, dst, ew, zinit)


def _finalize_body(p_ref, b_ref, o_ref):
    ssum = (p_ref[0].astype(jnp.float32)
            + p_ref[1].astype(jnp.float32))
    col = lax.broadcasted_iota(jnp.int32, (BM, OUTP), 1)
    deg = jnp.sum(jnp.where(col == DEG_COL, ssum, 0.0), axis=1,
                  keepdims=True)
    deg = jnp.maximum(deg, 1.0)
    o_ref[...] = jnp.maximum(ssum[:, :OUT_F] / deg + b_ref[...], 0.0)


def _finalize(part, bias2d):
    return pl.pallas_call(
        _finalize_body,
        grid=(N // BM,),
        in_specs=[pl.BlockSpec((NC, BM, OUTP), lambda i: (0, i, 0)),
                  pl.BlockSpec((1, OUT_F), lambda i: (0, 0))],
        out_specs=pl.BlockSpec((BM, OUT_F), lambda i: (i, 0)),
        out_shape=jax.ShapeDtypeStruct((N, OUT_F), jnp.float32),
    )(part, bias2d)


def kernel(features, edge_index, edge_weight, lin_w, lin_b, bias):
    wmat = lin_w[:, 0].reshape(IN_F, OUT_F)
    bmat = lin_b.reshape(IN_F, OUT_F)
    wcat = jnp.zeros((IN_F, W2), jnp.float32)
    wcat = wcat.at[:, :OUT_F].set(wmat)
    wcat = wcat.at[:, OUTP:OUTP + OUT_F].set(bmat)
    order = _perm_cols()
    order_full = np.concatenate([order, OUTP + order])
    wcat = jnp.take(wcat, jnp.asarray(order_full), axis=1)

    zcat = _matmul(features, wcat)

    src = edge_index[0].reshape(NW, NCHUNK, CHUNK)
    dst = edge_index[1].reshape(NW, NCHUNK, CHUNK)
    ew = edge_weight[:, 0].reshape(NW, EDGES_PER_TILE)
    zinit = jnp.zeros((ROWS_PER_TILE, OUTP), jnp.bfloat16)

    part = _sc_edges(zcat, src, dst, ew, zinit)
    return _finalize(part, bias.reshape(1, OUT_F))

# --- scband reference (transcript-rebuilt; emitter-appended) ---
"""Pipeline reference for scband-net-16329465660089 (READ-ONLY COPY).

The authoritative reference and input builder live on the scoring server;
editing this copy changes nothing except your own understanding.
"""

import jax, jax.numpy as jnp
import numpy as np

N = 10000
E = 160000
IN_FEATS = 300
OUT_FEATS = 150

def setup_inputs(seed: int = 0) -> dict:
    key = jax.random.key(seed)
    k1, k2, k3, k4, k5, k6 = jax.random.split(key, 6)
    features = jax.random.normal(k1, (N, IN_FEATS), dtype=jnp.float32)
    edge_index = jax.random.randint(k2, (2, E), 0, N, dtype=jnp.int32)
    edge_weight = jax.random.normal(k3, (E, 1), dtype=jnp.float32)
    # edge_func: nn.Linear(1, IN_FEATS*OUT_FEATS) params (fixed from buggy Linear(1,20)
    # so NNConv's required edge-net output dim in*out is satisfied)
    lin_w = jax.random.normal(k4, (IN_FEATS * OUT_FEATS, 1), dtype=jnp.float32) * 0.05
    lin_b = jax.random.normal(k5, (IN_FEATS * OUT_FEATS,), dtype=jnp.float32) * 0.05
    # NNConv output bias
    bias = jnp.zeros((OUT_FEATS,), dtype=jnp.float32)
    return {"features": features, "edge_index": edge_index, "edge_weight": edge_weight,
            "lin_w": lin_w, "lin_b": lin_b, "bias": bias}

def reference(features, edge_index, edge_weight, lin_w, lin_b, bias):
    # DGL NNConv with aggregator 'mean':
    #   W_e = edge_func(efeat_e).reshape(IN, OUT)   (edge_func is Linear(1, IN*OUT))
    #   m_e = h_src(e) @ W_e
    #   h_i = mean_{e: dst(e)=i} m_e + bias
    # Since edge_func is linear in the scalar edge feature:
    #   W_e = efeat_e * Wmat + Bmat, with Wmat = lin_w[:,0].reshape(IN,OUT), Bmat = lin_b.reshape(IN,OUT)
    #   => m_e = efeat_e * (h_src @ Wmat) + (h_src @ Bmat)   (mathematically identical, no E x IN x OUT blowup)
    Wmat = lin_w[:, 0].reshape(IN_FEATS, OUT_FEATS)
    Bmat = lin_b.reshape(IN_FEATS, OUT_FEATS)
    Za = features @ Wmat  # (N, OUT)
    Zb = features @ Bmat  # (N, OUT)
    src = edge_index[0]
    dst = edge_index[1]
    m = edge_weight * jnp.take(Za, src, axis=0) + jnp.take(Zb, src, axis=0)  # (E, OUT)
    agg = jax.ops.segment_sum(m, dst, num_segments=N)
    deg = jax.ops.segment_sum(jnp.ones((E,), dtype=jnp.float32), dst, num_segments=N)
    agg = agg / jnp.maximum(deg, 1.0)[:, None]
    rst = agg + bias
    return jax.nn.relu(rst)

if __name__ == "__main__":
    import jax
    _d = setup_inputs()
    print(jax.jit(kernel)(*tuple(_d.values())))

</pallas_src>

<mosaic_0001>
#map = affine_map<(d0, d1) -> (0, 0)>
#map1 = affine_map<(d0, d1) -> (0, 0, 0)>
module attributes {stable_mosaic.version = 14 : i64} {
  func.func @k(%arg0: i32, %arg1: i32, %arg2: memref<10000x320xf32, #tpu.memory_space<hbm>>, %arg3: memref<32x100x50xi32, #tpu.memory_space<hbm>>, %arg4: memref<32x100x50xi32, #tpu.memory_space<hbm>>, %arg5: memref<32x5000xf32, #tpu.memory_space<hbm>>, %arg6: memref<640x160xbf16, #tpu.memory_space<hbm>>, %arg7: memref<2x10240x160xbf16, #tpu.memory_space<hbm>>, %arg8: memref<10240x160xbf16, #tpu.memory_space<vmem_shared>>, %arg9: memref<101x50xi32, #tpu.memory_space<vmem>>, %arg10: memref<100x50xi32, #tpu.memory_space<vmem>>, %arg11: memref<5016xf32, #tpu.memory_space<vmem>>, %arg12: memref<50x320xf32, #tpu.memory_space<vmem>>, %arg13: memref<50x320xf32, #tpu.memory_space<vmem>>, %arg14: memref<50x160xbf16, #tpu.memory_space<vmem>>, %arg15: memref<50x160xbf16, #tpu.memory_space<vmem>>, %arg16: memref<!tpu.dma_semaphore, #tpu.memory_space<semaphore_mem>>, %arg17: memref<!tpu.dma_semaphore, #tpu.memory_space<semaphore_mem>>, %arg18: memref<!tpu.dma_semaphore, #tpu.memory_space<semaphore_mem>>) attributes {dimension_semantics = [#tpu.dimension_semantics<core_parallel>, #tpu.dimension_semantics<subcore_parallel>], iteration_bounds = array<i64: 2, 16>, scalar_prefetch = 0 : i64, scratch_operands = 11 : i64, tpu.core_type = #tpu.core_type<sc_vector_subcore>, window_params = [{transform_indices = #map}, {transform_indices = #map1}, {transform_indices = #map1}, {transform_indices = #map}, {transform_indices = #map}, {transform_indices = #map1}]} {
    %mul3A = arith.constant 16 : i32
    %mul3A_0 = arith.muli %arg0, %mul3A : i32
    %add3A = arith.addi %mul3A_0, %arg1 : i32
    %mul3A_1 = arith.constant 640 : i32
    %mul3A_2 = arith.muli %arg1, %mul3A_1 : i32
    "tpu.region"() ({
      %run_scoped3A_44 = tpu.sem_alloc : memref<!tpu.dma_semaphore, #tpu.memory_space<semaphore_mem>>
      %dma_start3A_45 = arith.constant 0 : i32
      %dma_start3A_46 = tpu.memref_slice %arg8[%mul3A_2, %dma_start3A_45] : memref<10240x160xbf16, #tpu.memory_space<vmem_shared>> -> memref<640x160xbf16, #tpu.memory_space<vmem_shared>>
      tpu.enqueue_dma source(%arg6 : memref<640x160xbf16, #tpu.memory_space<hbm>>) target(%dma_start3A_46 : memref<640x160xbf16, #tpu.memory_space<vmem_shared>>) target_semaphore(%run_scoped3A_44 : memref<!tpu.dma_semaphore, #tpu.memory_space<semaphore_mem>>)
      %dma_wait3A_47 = arith.constant 0 : i32
      %dma_wait3A_48 = tpu.memref_slice %arg8[%mul3A_2, %dma_wait3A_47] : memref<10240x160xbf16, #tpu.memory_space<vmem_shared>> -> memref<640x160xbf16, #tpu.memory_space<vmem_shared>>
      tpu.wait_dma2 semaphore(%run_scoped3A_44 : memref<!tpu.dma_semaphore, #tpu.memory_space<semaphore_mem>>) src(%arg6 : memref<640x160xbf16, #tpu.memory_space<hbm>>) dst(%dma_wait3A_48 : memref<640x160xbf16, #tpu.memory_space<vmem_shared>>)
      tpu.yield
    }) : () -> ()
    "tpu.region"() ({
      %run_scoped3A_44 = tpu.sem_alloc : memref<!tpu.dma_semaphore, #tpu.memory_space<semaphore_mem>>
      %dma_start3A_45 = arith.constant 0 : i32
      %dma_start3A_46 = arith.constant 0 : i32
      %dma_start3A_47 = tpu.memref_slice %arg9[%dma_start3A_45, %dma_start3A_46] : memref<101x50xi32, #tpu.memory_space<vmem>> -> memref<100x50xi32, #tpu.memory_space<vmem>>
      %dma_start3A_48 = arith.constant 0 : i32
      %dma_start3A_49 = arith.constant 0 : i32
      %dma_start3A_50 = tpu.memref_slice %arg3[%add3A, %dma_start3A_48, %dma_start3A_49] : memref<32x100x50xi32, #tpu.memory_space<hbm>> -> memref<1x100x50xi32, #tpu.memory_space<hbm>>
      %dma_start3A_51 = tpu.memref_squeeze %dma_start3A_50 : memref<1x100x50xi32, #tpu.memory_space<hbm>> -> memref<100x50xi32, #tpu.memory_space<hbm>>
      %dma_start3A_52 = arith.constant 0 : i32
      %dma_start3A_53 = arith.constant 0 : i32
      %dma_start3A_54 = tpu.memref_slice %arg9[%dma_start3A_52, %dma_start3A_53] : memref<101x50xi32, #tpu.memory_space<vmem>> -> memref<100x50xi32, #tpu.memory_space<vmem>>
      %dma_start3A_55 = arith.constant 0 : i32
      %dma_start3A_56 = arith.constant 0 : i32
      %dma_start3A_57 = tpu.memref_slice %arg3[%add3A, %dma_start3A_55, %dma_start3A_56] : memref<32x100x50xi32, #tpu.memory_space<hbm>> -> memref<1x100x50xi32, #tpu.memory_space<hbm>>
      %dma_start3A_58 = tpu.memref_squeeze %dma_start3A_57 : memref<1x100x50xi32, #tpu.memory_space<hbm>> -> memref<100x50xi32, #tpu.memory_space<hbm>>
      tpu.enqueue_dma source(%dma_start3A_58 : memref<100x50xi32, #tpu.memory_space<hbm>>) target(%dma_start3A_54 : memref<100x50xi32, #tpu.memory_space<vmem>>) target_semaphore(%run_scoped3A_44 : memref<!tpu.dma_semaphore, #tpu.memory_space<semaphore_mem>>)
      %dma_wait3A_59 = arith.constant 0 : i32
      %dma_wait3A_60 = arith.constant 0 : i32
      %dma_wait3A_61 = tpu.memref_slice %arg9[%dma_wait3A_59, %dma_wait3A_60] : memref<101x50xi32, #tpu.memory_space<vmem>> -> memref<100x50xi32, #tpu.memory_space<vmem>>
      %dma_wait3A_62 = arith.constant 0 : i32
      %dma_wait3A_63 = arith.constant 0 : i32
      %dma_wait3A_64 = tpu.memref_slice %arg3[%add3A, %dma_wait3A_62, %dma_wait3A_63] : memref<32x100x50xi32, #tpu.memory_space<hbm>> -> memref<1x100x50xi32, #tpu.memory_space<hbm>>
      %dma_wait3A_65 = tpu.memref_squeeze %dma_wait3A_64 : memref<1x100x50xi32, #tpu.memory_space<hbm>> -> memref<100x50xi32, #tpu.memory_space<hbm>>
      %dma_wait3A_66 = arith.constant 0 : i32
      %dma_wait3A_67 = arith.constant 0 : i32
      %dma_wait3A_68 = tpu.memref_slice %arg9[%dma_wait3A_66, %dma_wait3A_67] : memref<101x50xi32, #tpu.memory_space<vmem>> -> memref<100x50xi32, #tpu.memory_space<vmem>>
      %dma_wait3A_69 = arith.constant 0 : i32
      %dma_wait3A_70 = arith.constant 0 : i32
      %dma_wait3A_71 = tpu.memref_slice %arg3[%add3A, %dma_wait3A_69, %dma_wait3A_70] : memref<32x100x50xi32, #tpu.memory_space<hbm>> -> memref<1x100x50xi32, #tpu.memory_space<hbm>>
      %dma_wait3A_72 = tpu.memref_squeeze %dma_wait3A_71 : memref<1x100x50xi32, #tpu.memory_space<hbm>> -> memref<100x50xi32, #tpu.memory_space<hbm>>
      tpu.wait_dma2 semaphore(%run_scoped3A_44 : memref<!tpu.dma_semaphore, #tpu.memory_space<semaphore_mem>>) src(%dma_wait3A_72 : memref<100x50xi32, #tpu.memory_space<hbm>>) dst(%dma_wait3A_68 : memref<100x50xi32, #tpu.memory_space<vmem>>)
      tpu.yield
    }) : () -> ()
    %run_scoped3A = arith.constant 0 : i32
    %run_scoped3A_3 = arith.constant 100 : i32
    "tpu.region"() ({
      %run_scoped3A_44 = tpu.sem_alloc : memref<!tpu.dma_semaphore, #tpu.memory_space<semaphore_mem>>
      %dma_start3A_45 = arith.constant 0 : i32
      %dma_start3A_46 = tpu.memref_slice %arg9[%run_scoped3A_3, %dma_start3A_45] : memref<101x50xi32, #tpu.memory_space<vmem>> -> memref<1x50xi32, #tpu.memory_space<vmem>>
      %dma_start3A_47 = tpu.memref_squeeze %dma_start3A_46 : memref<1x50xi32, #tpu.memory_space<vmem>> -> memref<50xi32, #tpu.memory_space<vmem>>
      %dma_start3A_48 = arith.constant 0 : i32
      %dma_start3A_49 = tpu.memref_slice %arg3[%add3A, %run_scoped3A, %dma_start3A_48] : memref<32x100x50xi32, #tpu.memory_space<hbm>> -> memref<1x1x50xi32, #tpu.memory_space<hbm>>
      %dma_start3A_50 = tpu.memref_squeeze %dma_start3A_49 : memref<1x1x50xi32, #tpu.memory_space<hbm>> -> memref<50xi32, #tpu.memory_space<hbm>>
      %dma_start3A_51 = arith.constant 0 : i32
      %dma_start3A_52 = tpu.memref_slice %arg9[%run_scoped3A_3, %dma_start3A_51] : memref<101x50xi32, #tpu.memory_space<vmem>> -> memref<1x50xi32, #tpu.memory_space<vmem>>
      %dma_start3A_53 = tpu.memref_squeeze %dma_start3A_52 : memref<1x50xi32, #tpu.memory_space<vmem>> -> memref<50xi32, #tpu.memory_space<vmem>>
      %dma_start3A_54 = arith.constant 0 : i32
      %dma_start3A_55 = tpu.memref_slice %arg3[%add3A, %run_scoped3A, %dma_start3A_54] : memref<32x100x50xi32, #tpu.memory_space<hbm>> -> memref<1x1x50xi32, #tpu.memory_space<hbm>>
      %dma_start3A_56 = tpu.memref_squeeze %dma_start3A_55 : memref<1x1x50xi32, #tpu.memory_space<hbm>> -> memref<50xi32, #tpu.memory_space<hbm>>
      tpu.enqueue_dma source(%dma_start3A_56 : memref<50xi32, #tpu.memory_space<hbm>>) target(%dma_start3A_53 : memref<50xi32, #tpu.memory_space<vmem>>) target_semaphore(%run_scoped3A_44 : memref<!tpu.dma_semaphore, #tpu.memory_space<semaphore_mem>>)
      %dma_wait3A_57 = arith.constant 0 : i32
      %dma_wait3A_58 = tpu.memref_slice %arg9[%run_scoped3A_3, %dma_wait3A_57] : memref<101x50xi32, #tpu.memory_space<vmem>> -> memref<1x50xi32, #tpu.memory_space<vmem>>
      %dma_wait3A_59 = tpu.memref_squeeze %dma_wait3A_58 : memref<1x50xi32, #tpu.memory_space<vmem>> -> memref<50xi32, #tpu.memory_space<vmem>>
      %dma_wait3A_60 = arith.constant 0 : i32
      %dma_wait3A_61 = tpu.memref_slice %arg3[%add3A, %run_scoped3A, %dma_wait3A_60] : memref<32x100x50xi32, #tpu.memory_space<hbm>> -> memref<1x1x50xi32, #tpu.memory_space<hbm>>
      %dma_wait3A_62 = tpu.memref_squeeze %dma_wait3A_61 : memref<1x1x50xi32, #tpu.memory_space<hbm>> -> memref<50xi32, #tpu.memory_space<hbm>>
      %dma_wait3A_63 = arith.constant 0 : i32
      %dma_wait3A_64 = tpu.memref_slice %arg9[%run_scoped3A_3, %dma_wait3A_63] : memref<101x50xi32, #tpu.memory_space<vmem>> -> memref<1x50xi32, #tpu.memory_space<vmem>>
      %dma_wait3A_65 = tpu.memref_squeeze %dma_wait3A_64 : memref<1x50xi32, #tpu.memory_space<vmem>> -> memref<50xi32, #tpu.memory_space<vmem>>
      %dma_wait3A_66 = arith.constant 0 : i32
      %dma_wait3A_67 = tpu.memref_slice %arg3[%add3A, %run_scoped3A, %dma_wait3A_66] : memref<32x100x50xi32, #tpu.memory_space<hbm>> -> memref<1x1x50xi32, #tpu.memory_space<hbm>>
      %dma_wait3A_68 = tpu.memref_squeeze %dma_wait3A_67 : memref<1x1x50xi32, #tpu.memory_space<hbm>> -> memref<50xi32, #tpu.memory_space<hbm>>
      tpu.wait_dma2 semaphore(%run_scoped3A_44 : memref<!tpu.dma_semaphore, #tpu.memory_space<semaphore_mem>>) src(%dma_wait3A_68 : memref<50xi32, #tpu.memory_space<hbm>>) dst(%dma_wait3A_65 : memref<50xi32, #tpu.memory_space<vmem>>)
      tpu.yield
    }) : () -> ()
    "tpu.region"() ({
      %run_scoped3A_44 = tpu.sem_alloc : memref<!tpu.dma_semaphore, #tpu.memory_space<semaphore_mem>>
      %dma_start3A_45 = arith.constant 0 : i32
      %dma_start3A_46 = arith.constant 0 : i32
      %dma_start3A_47 = tpu.memref_slice %arg4[%add3A, %dma_start3A_45, %dma_start3A_46] : memref<32x100x50xi32, #tpu.memory_space<hbm>> -> memref<1x100x50xi32, #tpu.memory_space<hbm>>
      %dma_start3A_48 = tpu.memref_squeeze %dma_start3A_47 : memref<1x100x50xi32, #tpu.memory_space<hbm>> -> memref<100x50xi32, #tpu.memory_space<hbm>>
      %dma_start3A_49 = arith.constant 0 : i32
      %dma_start3A_50 = arith.constant 0 : i32
      %dma_start3A_51 = tpu.memref_slice %arg4[%add3A, %dma_start3A_49, %dma_start3A_50] : memref<32x100x50xi32, #tpu.memory_space<hbm>> -> memref<1x100x50xi32, #tpu.memory_space<hbm>>
      %dma_start3A_52 = tpu.memref_squeeze %dma_start3A_51 : memref<1x100x50xi32, #tpu.memory_space<hbm>> -> memref<100x50xi32, #tpu.memory_space<hbm>>
      tpu.enqueue_dma source(%dma_start3A_52 : memref<100x50xi32, #tpu.memory_space<hbm>>) target(%arg10 : memref<100x50xi32, #tpu.memory_space<vmem>>) target_semaphore(%run_scoped3A_44 : memref<!tpu.dma_semaphore, #tpu.memory_space<semaphore_mem>>)
      %dma_wait3A_53 = arith.constant 0 : i32
      %dma_wait3A_54 = arith.constant 0 : i32
      %dma_wait3A_55 = tpu.memref_slice %arg4[%add3A, %dma_wait3A_53, %dma_wait3A_54] : memref<32x100x50xi32, #tpu.memory_space<hbm>> -> memref<1x100x50xi32, #tpu.memory_space<hbm>>
      %dma_wait3A_56 = tpu.memref_squeeze %dma_wait3A_55 : memref<1x100x50xi32, #tpu.memory_space<hbm>> -> memref<100x50xi32, #tpu.memory_space<hbm>>
      %dma_wait3A_57 = arith.constant 0 : i32
      %dma_wait3A_58 = arith.constant 0 : i32
      %dma_wait3A_59 = tpu.memref_slice %arg4[%add3A, %dma_wait3A_57, %dma_wait3A_58] : memref<32x100x50xi32, #tpu.memory_space<hbm>> -> memref<1x100x50xi32, #tpu.memory_space<hbm>>
      %dma_wait3A_60 = tpu.memref_squeeze %dma_wait3A_59 : memref<1x100x50xi32, #tpu.memory_space<hbm>> -> memref<100x50xi32, #tpu.memory_space<hbm>>
      tpu.wait_dma2 semaphore(%run_scoped3A_44 : memref<!tpu.dma_semaphore, #tpu.memory_space<semaphore_mem>>) src(%dma_wait3A_60 : memref<100x50xi32, #tpu.memory_space<hbm>>) dst(%arg10 : memref<100x50xi32, #tpu.memory_space<vmem>>)
      tpu.yield
    }) : () -> ()
    "tpu.region"() ({
      %run_scoped3A_44 = tpu.sem_alloc : memref<!tpu.dma_semaphore, #tpu.memory_space<semaphore_mem>>
      %dma_start3A_45 = arith.constant 0 : i32
      %dma_start3A_46 = tpu.memref_slice %arg11[%dma_start3A_45] : memref<5016xf32, #tpu.memory_space<vmem>> -> memref<5000xf32, #tpu.memory_space<vmem>>
      %dma_start3A_47 = arith.constant 0 : i32
      %dma_start3A_48 = tpu.memref_slice %arg5[%add3A, %dma_start3A_47] : memref<32x5000xf32, #tpu.memory_space<hbm>> -> memref<1x5000xf32, #tpu.memory_space<hbm>>
      %dma_start3A_49 = tpu.memref_squeeze %dma_start3A_48 : memref<1x5000xf32, #tpu.memory_space<hbm>> -> memref<5000xf32, #tpu.memory_space<hbm>>
      %dma_start3A_50 = arith.constant 0 : i32
      %dma_start3A_51 = tpu.memref_slice %arg11[%dma_start3A_50] : memref<5016xf32, #tpu.memory_space<vmem>> -> memref<5000xf32, #tpu.memory_space<vmem>>
      %dma_start3A_52 = arith.constant 0 : i32
      %dma_start3A_53 = tpu.memref_slice %arg5[%add3A, %dma_start3A_52] : memref<32x5000xf32, #tpu.memory_space<hbm>> -> memref<1x5000xf32, #tpu.memory_space<hbm>>
      %dma_start3A_54 = tpu.memref_squeeze %dma_start3A_53 : memref<1x5000xf32, #tpu.memory_space<hbm>> -> memref<5000xf32, #tpu.memory_space<hbm>>
      tpu.enqueue_dma source(%dma_start3A_54 : memref<5000xf32, #tpu.memory_space<hbm>>) target(%dma_start3A_51 : memref<5000xf32, #tpu.memory_space<vmem>>) target_semaphore(%run_scoped3A_44 : memref<!tpu.dma_semaphore, #tpu.memory_space<semaphore_mem>>)
      %dma_wait3A_55 = arith.constant 0 : i32
      %dma_wait3A_56 = tpu.memref_slice %arg11[%dma_wait3A_55] : memref<5016xf32, #tpu.memory_space<vmem>> -> memref<5000xf32, #tpu.memory_space<vmem>>
      %dma_wait3A_57 = arith.constant 0 : i32
      %dma_wait3A_58 = tpu.memref_slice %arg5[%add3A, %dma_wait3A_57] : memref<32x5000xf32, #tpu.memory_space<hbm>> -> memref<1x5000xf32, #tpu.memory_space<hbm>>
      %dma_wait3A_59 = tpu.memref_squeeze %dma_wait3A_58 : memref<1x5000xf32, #tpu.memory_space<hbm>> -> memref<5000xf32, #tpu.memory_space<hbm>>
      %dma_wait3A_60 = arith.constant 0 : i32
      %dma_wait3A_61 = tpu.memref_slice %arg11[%dma_wait3A_60] : memref<5016xf32, #tpu.memory_space<vmem>> -> memref<5000xf32, #tpu.memory_space<vmem>>
      %dma_wait3A_62 = arith.constant 0 : i32
      %dma_wait3A_63 = tpu.memref_slice %arg5[%add3A, %dma_wait3A_62] : memref<32x5000xf32, #tpu.memory_space<hbm>> -> memref<1x5000xf32, #tpu.memory_space<hbm>>
      %dma_wait3A_64 = tpu.memref_squeeze %dma_wait3A_63 : memref<1x5000xf32, #tpu.memory_space<hbm>> -> memref<5000xf32, #tpu.memory_space<hbm>>
      tpu.wait_dma2 semaphore(%run_scoped3A_44 : memref<!tpu.dma_semaphore, #tpu.memory_space<semaphore_mem>>) src(%dma_wait3A_64 : memref<5000xf32, #tpu.memory_space<hbm>>) dst(%dma_wait3A_61 : memref<5000xf32, #tpu.memory_space<vmem>>)
      tpu.yield
    }) : () -> ()
    %barrier3A = arith.constant 0 : index
    tpu.barrier barrier_id(%barrier3A)
    %iota3A = tpu.iota {dimensions = array<i32: 0>} : vector<16xi32>
    %eq3A = arith.constant 11 : i32
    %eq3A_4 = vector.broadcast %eq3A : i32 to vector<16xi32>
    %eq3A_5 = arith.cmpi eq, %iota3A, %eq3A_4 : vector<16xi32>
    %jit3A = arith.constant 1.000000e+00 : f32
    %jit3A_6 = arith.constant 0.000000e+00 : f32
    %broadcast_in_dim3A = vector.broadcast %jit3A : f32 to vector<16xf32>
    %broadcast_in_dim3A_7 = vector.broadcast %jit3A_6 : f32 to vector<16xf32>
    %select_n3A = arith.select %eq3A_5, %broadcast_in_dim3A, %broadcast_in_dim3A_7 : vector<16xi1>, vector<16xf32>
    %dma_start3A = arith.constant 0 : i32
    %dma_start3A_8 = arith.constant 0 : i32
    %dma_start3A_9 = tpu.memref_slice %arg9[%dma_start3A, %dma_start3A_8] : memref<101x50xi32, #tpu.memory_space<vmem>> -> memref<1x50xi32, #tpu.memory_space<vmem>>
    %dma_start3A_10 = tpu.memref_squeeze %dma_start3A_9 : memref<1x50xi32, #tpu.memory_space<vmem>> -> memref<50xi32, #tpu.memory_space<vmem>>
    %dma_start3A_11 = arith.constant 0 : i32
    %dma_start3A_12 = arith.constant 0 : i32
    %dma_start3A_13 = tpu.memref_slice %arg2[%dma_start3A_11, %dma_start3A_12] : memref<10000x320xf32, #tpu.memory_space<hbm>> -> memref<10000x320xf32, #tpu.memory_space<hbm>>
    tpu.enqueue_indirect_dma source(%dma_start3A_13 : memref<10000x320xf32, #tpu.memory_space<hbm>>) target(%arg12 : memref<50x320xf32, #tpu.memory_space<vmem>>) offsets(%dma_start3A_10 : memref<50xi32, #tpu.memory_space<vmem>>) semaphore(%arg16 : memref<!tpu.dma_semaphore, #tpu.memory_space<semaphore_mem>>)
    %scan3A = arith.constant 0 : i32
    %scan3A_14 = arith.constant 0 : i32
    %scan3A_15 = arith.constant 50 : i32
    %scan3A_16 = arith.addi %scan3A_14, %scan3A_15 : i32
    %scan3A_17 = arith.constant 1 : i32
    scf.for %scan3A_44 = %scan3A_14 to %scan3A_16 step %scan3A_17  : i32 {
      %mul3A_45 = arith.constant 2 : i32
      %mul3A_46 = arith.muli %mul3A_45, %scan3A_44 : i32
      %dma_wait3A_47 = arith.constant 0 : i32
      %dma_wait3A_48 = tpu.memref_slice %arg9[%mul3A_46, %dma_wait3A_47] : memref<101x50xi32, #tpu.memory_space<vmem>> -> memref<1x50xi32, #tpu.memory_space<vmem>>
      %dma_wait3A_49 = tpu.memref_squeeze %dma_wait3A_48 : memref<1x50xi32, #tpu.memory_space<vmem>> -> memref<50xi32, #tpu.memory_space<vmem>>
      %dma_wait3A_50 = arith.constant 0 : i32
      %dma_wait3A_51 = arith.constant 0 : i32
      %dma_wait3A_52 = tpu.memref_slice %arg2[%dma_wait3A_50, %dma_wait3A_51] : memref<10000x320xf32, #tpu.memory_space<hbm>> -> memref<10000x320xf32, #tpu.memory_space<hbm>>
      tpu.wait_indirect_dma semaphore(%arg16 : memref<!tpu.dma_semaphore, #tpu.memory_space<semaphore_mem>>) src(%dma_wait3A_52 : memref<10000x320xf32, #tpu.memory_space<hbm>>) dst(%arg12 : memref<50x320xf32, #tpu.memory_space<vmem>>)
      %add3A_53 = arith.constant 1 : i32
      %add3A_54 = arith.addi %mul3A_46, %add3A_53 : i32
      %dma_start3A_55 = arith.constant 0 : i32
      %dma_start3A_56 = tpu.memref_slice %arg9[%add3A_54, %dma_start3A_55] : memref<101x50xi32, #tpu.memory_space<vmem>> -> memref<1x50xi32, #tpu.memory_space<vmem>>
      %dma_start3A_57 = tpu.memref_squeeze %dma_start3A_56 : memref<1x50xi32, #tpu.memory_space<vmem>> -> memref<50xi32, #tpu.memory_space<vmem>>
      %dma_start3A_58 = arith.constant 0 : i32
      %dma_start3A_59 = arith.constant 0 : i32
      %dma_start3A_60 = tpu.memref_slice %arg2[%dma_start3A_58, %dma_start3A_59] : memref<10000x320xf32, #tpu.memory_space<hbm>> -> memref<10000x320xf32, #tpu.memory_space<hbm>>
      tpu.enqueue_indirect_dma source(%dma_start3A_60 : memref<10000x320xf32, #tpu.memory_space<hbm>>) target(%arg13 : memref<50x320xf32, #tpu.memory_space<vmem>>) offsets(%dma_start3A_57 : memref<50xi32, #tpu.memory_space<vmem>>) semaphore(%arg17 : memref<!tpu.dma_semaphore, #tpu.memory_space<semaphore_mem>>)
      %gt3A = arith.constant 1 : i32
      %gt3A_61 = arith.cmpi sgt, %mul3A_46, %gt3A : i32
      %convert_element_type3A = arith.extui %gt3A_61 : i1 to i32
      %cond3A = arith.constant 0 : i32
      %cond3A_62 = arith.cmpi ne, %convert_element_type3A, %cond3A : i32
      scf.if %cond3A_62 {
        %sub3A = arith.constant 2 : i32
        %sub3A_110 = arith.subi %mul3A_46, %sub3A : i32
        %dma_wait3A_111 = arith.constant 0 : i32
        %dma_wait3A_112 = tpu.memref_slice %arg10[%sub3A_110, %dma_wait3A_111] : memref<100x50xi32, #tpu.memory_space<vmem>> -> memref<1x50xi32, #tpu.memory_space<vmem>>
        %dma_wait3A_113 = tpu.memref_squeeze %dma_wait3A_112 : memref<1x50xi32, #tpu.memory_space<vmem>> -> memref<50xi32, #tpu.memory_space<vmem>>
        %dma_wait3A_114 = arith.constant 0 : i32
        %dma_wait3A_115 = arith.constant 0 : i32
        %dma_wait3A_116 = tpu.memref_slice %arg8[%dma_wait3A_114, %dma_wait3A_115] : memref<10240x160xbf16, #tpu.memory_space<vmem_shared>> -> memref<10240x160xbf16, #tpu.memory_space<vmem_shared>>
        tpu.wait_indirect_dma semaphore(%arg18 : memref<!tpu.dma_semaphore, #tpu.memory_space<semaphore_mem>>) src(%arg14 : memref<50x160xbf16, #tpu.memory_space<vmem>>) dst(%dma_wait3A_116 : memref<10240x160xbf16, #tpu.memory_space<vmem_shared>>)
      } else {
      }
      %scan3A_63 = arith.constant 0 : i32
      %scan3A_64 = arith.constant 0 : i32
      %scan3A_65 = arith.constant 50 : i32
      %scan3A_66 = arith.addi %scan3A_64, %scan3A_65 : i32
      %scan3A_67 = arith.constant 1 : i32
      scf.for %scan3A_110 = %scan3A_64 to %scan3A_66 step %scan3A_67  : i32 {
        %mul3A_111 = arith.constant 50 : i32
        %mul3A_112 = arith.muli %mul3A_46, %mul3A_111 : i32
        %add3A_113 = arith.addi %mul3A_112, %scan3A_110 : i32
        %get3A = arith.index_cast %add3A_113 : i32 to index
        %get3A_114 = tpu.vector_load %arg11[%get3A] {strides = array<i32>} : memref<5016xf32, #tpu.memory_space<vmem>>, vector<16xf32>,
        %slice3A = vector.extract_strided_slice %get3A_114 {offsets = [0], sizes = [1], strides = [1]} : vector<16xf32> to vector<1xf32>
        %squeeze3A = vector.extract %slice3A[0] : f32 from vector<1xf32>
        %broadcast_in_dim3A_115 = vector.broadcast %squeeze3A : f32 to vector<16xf32>
        %get3A_116 = arith.index_cast %scan3A_110 : i32 to index
        %get3A_117 = arith.constant 0 : index
        %get3A_118 = tpu.vector_load %arg12[%get3A_116, %get3A_117] {strides = array<i32>} : memref<50x320xf32, #tpu.memory_space<vmem>>, vector<16xf32>,
        %get3A_119 = arith.index_cast %scan3A_110 : i32 to index
        %get3A_120 = arith.constant 160 : index
        %get3A_121 = tpu.vector_load %arg12[%get3A_119, %get3A_120] {strides = array<i32>} : memref<50x320xf32, #tpu.memory_space<vmem>>, vector<16xf32>,
        %mul3A_122 = arith.mulf %broadcast_in_dim3A_115, %get3A_118 : vector<16xf32>
        %add3A_123 = arith.addf %mul3A_122, %get3A_121 : vector<16xf32>
        %get3A_124 = arith.index_cast %scan3A_110 : i32 to index
        %get3A_125 = arith.constant 16 : index
        %get3A_126 = tpu.vector_load %arg12[%get3A_124, %get3A_125] {strides = array<i32>} : memref<50x320xf32, #tpu.memory_space<vmem>>, vector<16xf32>,
        %get3A_127 = arith.index_cast %scan3A_110 : i32 to index
        %get3A_128 = arith.constant 176 : index
        %get3A_129 = tpu.vector_load %arg12[%get3A_127, %get3A_128] {strides = array<i32>} : memref<50x320xf32, #tpu.memory_space<vmem>>, vector<16xf32>,
        %mul3A_130 = arith.mulf %broadcast_in_dim3A_115, %get3A_126 : vector<16xf32>
        %add3A_131 = arith.addf %mul3A_130, %get3A_129 : vector<16xf32>
        %get3A_132 = arith.index_cast %scan3A_110 : i32 to index
        %get3A_133 = arith.constant 32 : index
        %get3A_134 = tpu.vector_load %arg12[%get3A_132, %get3A_133] {strides = array<i32>} : memref<50x320xf32, #tpu.memory_space<vmem>>, vector<16xf32>,
        %get3A_135 = arith.index_cast %scan3A_110 : i32 to index
        %get3A_136 = arith.constant 192 : index
        %get3A_137 = tpu.vector_load %arg12[%get3A_135, %get3A_136] {strides = array<i32>} : memref<50x320xf32, #tpu.memory_space<vmem>>, vector<16xf32>,
        %mul3A_138 = arith.mulf %broadcast_in_dim3A_115, %get3A_134 : vector<16xf32>
        %add3A_139 = arith.addf %mul3A_138, %get3A_137 : vector<16xf32>
        %get3A_140 = arith.index_cast %scan3A_110 : i32 to index
        %get3A_141 = arith.constant 48 : index
        %get3A_142 = tpu.vector_load %arg12[%get3A_140, %get3A_141] {strides = array<i32>} : memref<50x320xf32, #tpu.memory_space<vmem>>, vector<16xf32>,
        %get3A_143 = arith.index_cast %scan3A_110 : i32 to index
        %get3A_144 = arith.constant 208 : index
        %get3A_145 = tpu.vector_load %arg12[%get3A_143, %get3A_144] {strides = array<i32>} : memref<50x320xf32, #tpu.memory_space<vmem>>, vector<16xf32>,
        %mul3A_146 = arith.mulf %broadcast_in_dim3A_115, %get3A_142 : vector<16xf32>
        %add3A_147 = arith.addf %mul3A_146, %get3A_145 : vector<16xf32>
        %get3A_148 = arith.index_cast %scan3A_110 : i32 to index
        %get3A_149 = arith.constant 64 : index
        %get3A_150 = tpu.vector_load %arg12[%get3A_148, %get3A_149] {strides = array<i32>} : memref<50x320xf32, #tpu.memory_space<vmem>>, vector<16xf32>,
        %get3A_151 = arith.index_cast %scan3A_110 : i32 to index
        %get3A_152 = arith.constant 224 : index
        %get3A_153 = tpu.vector_load %arg12[%get3A_151, %get3A_152] {strides = array<i32>} : memref<50x320xf32, #tpu.memory_space<vmem>>, vector<16xf32>,
        %mul3A_154 = arith.mulf %broadcast_in_dim3A_115, %get3A_150 : vector<16xf32>
        %add3A_155 = arith.addf %mul3A_154, %get3A_153 : vector<16xf32>
        %get3A_156 = arith.index_cast %scan3A_110 : i32 to index
        %get3A_157 = arith.constant 80 : index
        %get3A_158 = tpu.vector_load %arg12[%get3A_156, %get3A_157] {strides = array<i32>} : memref<50x320xf32, #tpu.memory_space<vmem>>, vector<16xf32>,
        %get3A_159 = arith.index_cast %scan3A_110 : i32 to index
        %get3A_160 = arith.constant 240 : index
        %get3A_161 = tpu.vector_load %arg12[%get3A_159, %get3A_160] {strides = array<i32>} : memref<50x320xf32, #tpu.memory_space<vmem>>, vector<16xf32>,
        %mul3A_162 = arith.mulf %broadcast_in_dim3A_115, %get3A_158 : vector<16xf32>
        %add3A_163 = arith.addf %mul3A_162, %get3A_161 : vector<16xf32>
        %get3A_164 = arith.index_cast %scan3A_110 : i32 to index
        %get3A_165 = arith.constant 96 : index
        %get3A_166 = tpu.vector_load %arg12[%get3A_164, %get3A_165] {strides = array<i32>} : memref<50x320xf32, #tpu.memory_space<vmem>>, vector<16xf32>,
        %get3A_167 = arith.index_cast %scan3A_110 : i32 to index
        %get3A_168 = arith.constant 256 : index
        %get3A_169 = tpu.vector_load %arg12[%get3A_167, %get3A_168] {strides = array<i32>} : memref<50x320xf32, #tpu.memory_space<vmem>>, vector<16xf32>,
        %mul3A_170 = arith.mulf %broadcast_in_dim3A_115, %get3A_166 : vector<16xf32>
        %add3A_171 = arith.addf %mul3A_170, %get3A_169 : vector<16xf32>
        %get3A_172 = arith.index_cast %scan3A_110 : i32 to index
        %get3A_173 = arith.constant 112 : index
        %get3A_174 = tpu.vector_load %arg12[%get3A_172, %get3A_173] {strides = array<i32>} : memref<50x320xf32, #tpu.memory_space<vmem>>, vector<16xf32>,
        %get3A_175 = arith.index_cast %scan3A_110 : i32 to index
        %get3A_176 = arith.constant 272 : index
        %get3A_177 = tpu.vector_load %arg12[%get3A_175, %get3A_176] {strides = array<i32>} : memref<50x320xf32, #tpu.memory_space<vmem>>, vector<16xf32>,
        %mul3A_178 = arith.mulf %broadcast_in_dim3A_115, %get3A_174 : vector<16xf32>
        %add3A_179 = arith.addf %mul3A_178, %get3A_177 : vector<16xf32>
        %get3A_180 = arith.index_cast %scan3A_110 : i32 to index
        %get3A_181 = arith.constant 128 : index
        %get3A_182 = tpu.vector_load %arg12[%get3A_180, %get3A_181] {strides = array<i32>} : memref<50x320xf32, #tpu.memory_space<vmem>>, vector<16xf32>,
        %get3A_183 = arith.index_cast %scan3A_110 : i32 to index
        %get3A_184 = arith.constant 288 : index
        %get3A_185 = tpu.vector_load %arg12[%get3A_183, %get3A_184] {strides = array<i32>} : memref<50x320xf32, #tpu.memory_space<vmem>>, vector<16xf32>,
        %mul3A_186 = arith.mulf %broadcast_in_dim3A_115, %get3A_182 : vector<16xf32>
        %add3A_187 = arith.addf %mul3A_186, %get3A_185 : vector<16xf32>
        %add3A_188 = arith.addf %add3A_187, %select_n3A : vector<16xf32>
        %get3A_189 = arith.index_cast %scan3A_110 : i32 to index
        %get3A_190 = arith.constant 144 : index
        %get3A_191 = tpu.vector_load %arg12[%get3A_189, %get3A_190] {strides = array<i32>} : memref<50x320xf32, #tpu.memory_space<vmem>>, vector<16xf32>,
        %get3A_192 = arith.index_cast %scan3A_110 : i32 to index
        %get3A_193 = arith.constant 304 : index
        %get3A_194 = tpu.vector_load %arg12[%get3A_192, %get3A_193] {strides = array<i32>} : memref<50x320xf32, #tpu.memory_space<vmem>>, vector<16xf32>,
        %mul3A_195 = arith.mulf %broadcast_in_dim3A_115, %get3A_191 : vector<16xf32>
        %add3A_196 = arith.addf %mul3A_195, %get3A_194 : vector<16xf32>
        %pack3A = tpu.pack_subelements %add3A_123, %add3A_131 {pack_format = #tpu.pack_format<interleaved>, positions = array<i32: 0, 1>} : vector<16xf32>, vector<16xf32> -> vector<32xbf16>
        %swap3A = arith.index_cast %scan3A_110 : i32 to index
        %swap3A_197 = arith.constant 0 : index
        %swap3A_198 = tpu.vector_load %arg14[%swap3A, %swap3A_197] {strides = array<i32>} : memref<50x160xbf16, #tpu.memory_space<vmem>>, vector<32xbf16>,
        tpu.vector_store %arg14[%swap3A, %swap3A_197], %pack3A {strides = array<i32>} : memref<50x160xbf16, #tpu.memory_space<vmem>>, vector<32xbf16>,
        %pack3A_199 = tpu.pack_subelements %add3A_139, %add3A_147 {pack_format = #tpu.pack_format<interleaved>, positions = array<i32: 0, 1>} : vector<16xf32>, vector<16xf32> -> vector<32xbf16>
        %swap3A_200 = arith.index_cast %scan3A_110 : i32 to index
        %swap3A_201 = arith.constant 32 : index
        %swap3A_202 = tpu.vector_load %arg14[%swap3A_200, %swap3A_201] {strides = array<i32>} : memref<50x160xbf16, #tpu.memory_space<vmem>>, vector<32xbf16>,
        tpu.vector_store %arg14[%swap3A_200, %swap3A_201], %pack3A_199 {strides = array<i32>} : memref<50x160xbf16, #tpu.memory_space<vmem>>, vector<32xbf16>,
        %pack3A_203 = tpu.pack_subelements %add3A_155, %add3A_163 {pack_format = #tpu.pack_format<interleaved>, positions = array<i32: 0, 1>} : vector<16xf32>, vector<16xf32> -> vector<32xbf16>
        %swap3A_204 = arith.index_cast %scan3A_110 : i32 to index
        %swap3A_205 = arith.constant 64 : index
        %swap3A_206 = tpu.vector_load %arg14[%swap3A_204, %swap3A_205] {strides = array<i32>} : memref<50x160xbf16, #tpu.memory_space<vmem>>, vector<32xbf16>,
        tpu.vector_store %arg14[%swap3A_204, %swap3A_205], %pack3A_203 {strides = array<i32>} : memref<50x160xbf16, #tpu.memory_space<vmem>>, vector<32xbf16>,
        %pack3A_207 = tpu.pack_subelements %add3A_171, %add3A_179 {pack_format = #tpu.pack_format<interleaved>, positions = array<i32: 0, 1>} : vector<16xf32>, vector<16xf32> -> vector<32xbf16>
        %swap3A_208 = arith.index_cast %scan3A_110 : i32 to index
        %swap3A_209 = arith.constant 96 : index
        %swap3A_210 = tpu.vector_load %arg14[%swap3A_208, %swap3A_209] {strides = array<i32>} : memref<50x160xbf16, #tpu.memory_space<vmem>>, vector<32xbf16>,
        tpu.vector_store %arg14[%swap3A_208, %swap3A_209], %pack3A_207 {strides = array<i32>} : memref<50x160xbf16, #tpu.memory_space<vmem>>, vector<32xbf16>,
        %pack3A_211 = tpu.pack_subelements %add3A_188, %add3A_196 {pack_format = #tpu.pack_format<interleaved>, positions = array<i32: 0, 1>} : vector<16xf32>, vector<16xf32> -> vector<32xbf16>
        %swap3A_212 = arith.index_cast %scan3A_110 : i32 to index
        %swap3A_213 = arith.constant 128 : index
        %swap3A_214 = tpu.vector_load %arg14[%swap3A_212, %swap3A_213] {strides = array<i32>} : memref<50x160xbf16, #tpu.memory_space<vmem>>, vector<32xbf16>,
        tpu.vector_store %arg14[%swap3A_212, %swap3A_213], %pack3A_211 {strides = array<i32>} : memref<50x160xbf16, #tpu.memory_space<vmem>>, vector<32xbf16>,
      }
      %scan3A_68 = arith.constant 50 : i32
      %dma_start3A_69 = arith.constant 0 : i32
      %dma_start3A_70 = tpu.memref_slice %arg10[%mul3A_46, %dma_start3A_69] : memref<100x50xi32, #tpu.memory_space<vmem>> -> memref<1x50xi32, #tpu.memory_space<vmem>>
      %dma_start3A_71 = tpu.memref_squeeze %dma_start3A_70 : memref<1x50xi32, #tpu.memory_space<vmem>> -> memref<50xi32, #tpu.memory_space<vmem>>
      %dma_start3A_72 = arith.constant 0 : i32
      %dma_start3A_73 = arith.constant 0 : i32
      %dma_start3A_74 = tpu.memref_slice %arg8[%dma_start3A_72, %dma_start3A_73] : memref<10240x160xbf16, #tpu.memory_space<vmem_shared>> -> memref<10240x160xbf16, #tpu.memory_space<vmem_shared>>
      tpu.enqueue_indirect_dma source(%arg14 : memref<50x160xbf16, #tpu.memory_space<vmem>>) target(%dma_start3A_74 : memref<10240x160xbf16, #tpu.memory_space<vmem_shared>>) offsets(%dma_start3A_71 : memref<50xi32, #tpu.memory_space<vmem>>) semaphore(%arg18 : memref<!tpu.dma_semaphore, #tpu.memory_space<semaphore_mem>>) {add = true}
      %mul3A_75 = arith.constant 2 : i32
      %mul3A_76 = arith.muli %mul3A_75, %scan3A_44 : i32
      %add3A_77 = arith.constant 1 : i32
      %add3A_78 = arith.addi %mul3A_76, %add3A_77 : i32
      %dma_wait3A_79 = arith.constant 0 : i32
      %dma_wait3A_80 = tpu.memref_slice %arg9[%add3A_78, %dma_wait3A_79] : memref<101x50xi32, #tpu.memory_space<vmem>> -> memref<1x50xi32, #tpu.memory_space<vmem>>
      %dma_wait3A_81 = tpu.memref_squeeze %dma_wait3A_80 : memref<1x50xi32, #tpu.memory_space<vmem>> -> memref<50xi32, #tpu.memory_space<vmem>>
      %dma_wait3A_82 = arith.constant 0 : i32
      %dma_wait3A_83 = arith.constant 0 : i32
      %dma_wait3A_84 = tpu.memref_slice %arg2[%dma_wait3A_82, %dma_wait3A_83] : memref<10000x320xf32, #tpu.memory_space<hbm>> -> memref<10000x320xf32, #tpu.memory_space<hbm>>
      tpu.wait_indirect_dma semaphore(%arg17 : memref<!tpu.dma_semaphore, #tpu.memory_space<semaphore_mem>>) src(%dma_wait3A_84 : memref<10000x320xf32, #tpu.memory_space<hbm>>) dst(%arg13 : memref<50x320xf32, #tpu.memory_space<vmem>>)
      %add3A_85 = arith.constant 1 : i32
      %add3A_86 = arith.addi %add3A_78, %add3A_85 : i32
      %dma_start3A_87 = arith.constant 0 : i32
      %dma_start3A_88 = tpu.memref_slice %arg9[%add3A_86, %dma_start3A_87] : memref<101x50xi32, #tpu.memory_space<vmem>> -> memref<1x50xi32, #tpu.memory_space<vmem>>
      %dma_start3A_89 = tpu.memref_squeeze %dma_start3A_88 : memref<1x50xi32, #tpu.memory_space<vmem>> -> memref<50xi32, #tpu.memory_space<vmem>>
      %dma_start3A_90 = arith.constant 0 : i32
      %dma_start3A_91 = arith.constant 0 : i32
      %dma_start3A_92 = tpu.memref_slice %arg2[%dma_start3A_90, %dma_start3A_91] : memref<10000x320xf32, #tpu.memory_space<hbm>> -> memref<10000x320xf32, #tpu.memory_space<hbm>>
      tpu.enqueue_indirect_dma source(%dma_start3A_92 : memref<10000x320xf32, #tpu.memory_space<hbm>>) target(%arg12 : memref<50x320xf32, #tpu.memory_space<vmem>>) offsets(%dma_start3A_89 : memref<50xi32, #tpu.memory_space<vmem>>) semaphore(%arg16 : memref<!tpu.dma_semaphore, #tpu.memory_space<semaphore_mem>>)
      %gt3A_93 = arith.constant 1 : i32
      %gt3A_94 = arith.cmpi sgt, %add3A_78, %gt3A_93 : i32
      %convert_element_type3A_95 = arith.extui %gt3A_94 : i1 to i32
      %cond3A_96 = arith.constant 0 : i32
      %cond3A_97 = arith.cmpi ne, %convert_element_type3A_95, %cond3A_96 : i32
      scf.if %cond3A_97 {
        %sub3A = arith.constant 2 : i32
        %sub3A_110 = arith.subi %add3A_78, %sub3A : i32
        %dma_wait3A_111 = arith.constant 0 : i32
        %dma_wait3A_112 = tpu.memref_slice %arg10[%sub3A_110, %dma_wait3A_111] : memref<100x50xi32, #tpu.memory_space<vmem>> -> memref<1x50xi32, #tpu.memory_space<vmem>>
        %dma_wait3A_113 = tpu.memref_squeeze %dma_wait3A_112 : memref<1x50xi32, #tpu.memory_space<vmem>> -> memref<50xi32, #tpu.memory_space<vmem>>
        %dma_wait3A_114 = arith.constant 0 : i32
        %dma_wait3A_115 = arith.constant 0 : i32
        %dma_wait3A_116 = tpu.memref_slice %arg8[%dma_wait3A_114, %dma_wait3A_115] : memref<10240x160xbf16, #tpu.memory_space<vmem_shared>> -> memref<10240x160xbf16, #tpu.memory_space<vmem_shared>>
        tpu.wait_indirect_dma semaphore(%arg18 : memref<!tpu.dma_semaphore, #tpu.memory_space<semaphore_mem>>) src(%arg15 : memref<50x160xbf16, #tpu.memory_space<vmem>>) dst(%dma_wait3A_116 : memref<10240x160xbf16, #tpu.memory_space<vmem_shared>>)
      } else {
      }
      %scan3A_98 = arith.constant 0 : i32
      %scan3A_99 = arith.constant 0 : i32
      %scan3A_100 = arith.constant 50 : i32
      %scan3A_101 = arith.addi %scan3A_99, %scan3A_100 : i32
      %scan3A_102 = arith.constant 1 : i32
      scf.for %scan3A_110 = %scan3A_99 to %scan3A_101 step %scan3A_102  : i32 {
        %mul3A_111 = arith.constant 50 : i32
        %mul3A_112 = arith.muli %add3A_78, %mul3A_111 : i32
        %add3A_113 = arith.addi %mul3A_112, %scan3A_110 : i32
        %get3A = arith.index_cast %add3A_113 : i32 to index
        %get3A_114 = tpu.vector_load %arg11[%get3A] {strides = array<i32>} : memref<5016xf32, #tpu.memory_space<vmem>>, vector<16xf32>,
        %slice3A = vector.extract_strided_slice %get3A_114 {offsets = [0], sizes = [1], strides = [1]} : vector<16xf32> to vector<1xf32>
        %squeeze3A = vector.extract %slice3A[0] : f32 from vector<1xf32>
        %broadcast_in_dim3A_115 = vector.broadcast %squeeze3A : f32 to vector<16xf32>
        %get3A_116 = arith.index_cast %scan3A_110 : i32 to index
        %get3A_117 = arith.constant 0 : index
        %get3A_118 = tpu.vector_load %arg13[%get3A_116, %get3A_117] {strides = array<i32>} : memref<50x320xf32, #tpu.memory_space<vmem>>, vector<16xf32>,
        %get3A_119 = arith.index_cast %scan3A_110 : i32 to index
        %get3A_120 = arith.constant 160 : index
        %get3A_121 = tpu.vector_load %arg13[%get3A_119, %get3A_120] {strides = array<i32>} : memref<50x320xf32, #tpu.memory_space<vmem>>, vector<16xf32>,
        %mul3A_122 = arith.mulf %broadcast_in_dim3A_115, %get3A_118 : vector<16xf32>
        %add3A_123 = arith.addf %mul3A_122, %get3A_121 : vector<16xf32>
        %get3A_124 = arith.index_cast %scan3A_110 : i32 to index
        %get3A_125 = arith.constant 16 : index
        %get3A_126 = tpu.vector_load %arg13[%get3A_124, %get3A_125] {strides = array<i32>} : memref<50x320xf32, #tpu.memory_space<vmem>>, vector<16xf32>,
        %get3A_127 = arith.index_cast %scan3A_110 : i32 to index
        %get3A_128 = arith.constant 176 : index
        %get3A_129 = tpu.vector_load %arg13[%get3A_127, %get3A_128] {strides = array<i32>} : memref<50x320xf32, #tpu.memory_space<vmem>>, vector<16xf32>,
        %mul3A_130 = arith.mulf %broadcast_in_dim3A_115, %get3A_126 : vector<16xf32>
        %add3A_131 = arith.addf %mul3A_130, %get3A_129 : vector<16xf32>
        %get3A_132 = arith.index_cast %scan3A_110 : i32 to index
        %get3A_133 = arith.constant 32 : index
        %get3A_134 = tpu.vector_load %arg13[%get3A_132, %get3A_133] {strides = array<i32>} : memref<50x320xf32, #tpu.memory_space<vmem>>, vector<16xf32>,
        %get3A_135 = arith.index_cast %scan3A_110 : i32 to index
        %get3A_136 = arith.constant 192 : index
        %get3A_137 = tpu.vector_load %arg13[%get3A_135, %get3A_136] {strides = array<i32>} : memref<50x320xf32, #tpu.memory_space<vmem>>, vector<16xf32>,
        %mul3A_138 = arith.mulf %broadcast_in_dim3A_115, %get3A_134 : vector<16xf32>
        %add3A_139 = arith.addf %mul3A_138, %get3A_137 : vector<16xf32>
        %get3A_140 = arith.index_cast %scan3A_110 : i32 to index
        %get3A_141 = arith.constant 48 : index
        %get3A_142 = tpu.vector_load %arg13[%get3A_140, %get3A_141] {strides = array<i32>} : memref<50x320xf32, #tpu.memory_space<vmem>>, vector<16xf32>,
        %get3A_143 = arith.index_cast %scan3A_110 : i32 to index
        %get3A_144 = arith.constant 208 : index
        %get3A_145 = tpu.vector_load %arg13[%get3A_143, %get3A_144] {strides = array<i32>} : memref<50x320xf32, #tpu.memory_space<vmem>>, vector<16xf32>,
        %mul3A_146 = arith.mulf %broadcast_in_dim3A_115, %get3A_142 : vector<16xf32>
        %add3A_147 = arith.addf %mul3A_146, %get3A_145 : vector<16xf32>
        %get3A_148 = arith.index_cast %scan3A_110 : i32 to index
        %get3A_149 = arith.constant 64 : index
        %get3A_150 = tpu.vector_load %arg13[%get3A_148, %get3A_149] {strides = array<i32>} : memref<50x320xf32, #tpu.memory_space<vmem>>, vector<16xf32>,
        %get3A_151 = arith.index_cast %scan3A_110 : i32 to index
        %get3A_152 = arith.constant 224 : index
        %get3A_153 = tpu.vector_load %arg13[%get3A_151, %get3A_152] {strides = array<i32>} : memref<50x320xf32, #tpu.memory_space<vmem>>, vector<16xf32>,
        %mul3A_154 = arith.mulf %broadcast_in_dim3A_115, %get3A_150 : vector<16xf32>
        %add3A_155 = arith.addf %mul3A_154, %get3A_153 : vector<16xf32>
        %get3A_156 = arith.index_cast %scan3A_110 : i32 to index
        %get3A_157 = arith.constant 80 : index
        %get3A_158 = tpu.vector_load %arg13[%get3A_156, %get3A_157] {strides = array<i32>} : memref<50x320xf32, #tpu.memory_space<vmem>>, vector<16xf32>,
        %get3A_159 = arith.index_cast %scan3A_110 : i32 to index
        %get3A_160 = arith.constant 240 : index
        %get3A_161 = tpu.vector_load %arg13[%get3A_159, %get3A_160] {strides = array<i32>} : memref<50x320xf32, #tpu.memory_space<vmem>>, vector<16xf32>,
        %mul3A_162 = arith.mulf %broadcast_in_dim3A_115, %get3A_158 : vector<16xf32>
        %add3A_163 = arith.addf %mul3A_162, %get3A_161 : vector<16xf32>
        %get3A_164 = arith.index_cast %scan3A_110 : i32 to index
        %get3A_165 = arith.constant 96 : index
        %get3A_166 = tpu.vector_load %arg13[%get3A_164, %get3A_165] {strides = array<i32>} : memref<50x320xf32, #tpu.memory_space<vmem>>, vector<16xf32>,
        %get3A_167 = arith.index_cast %scan3A_110 : i32 to index
        %get3A_168 = arith.constant 256 : index
        %get3A_169 = tpu.vector_load %arg13[%get3A_167, %get3A_168] {strides = array<i32>} : memref<50x320xf32, #tpu.memory_space<vmem>>, vector<16xf32>,
        %mul3A_170 = arith.mulf %broadcast_in_dim3A_115, %get3A_166 : vector<16xf32>
        %add3A_171 = arith.addf %mul3A_170, %get3A_169 : vector<16xf32>
        %get3A_172 = arith.index_cast %scan3A_110 : i32 to index
        %get3A_173 = arith.constant 112 : index
        %get3A_174 = tpu.vector_load %arg13[%get3A_172, %get3A_173] {strides = array<i32>} : memref<50x320xf32, #tpu.memory_space<vmem>>, vector<16xf32>,
        %get3A_175 = arith.index_cast %scan3A_110 : i32 to index
        %get3A_176 = arith.constant 272 : index
        %get3A_177 = tpu.vector_load %arg13[%get3A_175, %get3A_176] {strides = array<i32>} : memref<50x320xf32, #tpu.memory_space<vmem>>, vector<16xf32>,
        %mul3A_178 = arith.mulf %broadcast_in_dim3A_115, %get3A_174 : vector<16xf32>
        %add3A_179 = arith.addf %mul3A_178, %get3A_177 : vector<16xf32>
        %get3A_180 = arith.index_cast %scan3A_110 : i32 to index
        %get3A_181 = arith.constant 128 : index
        %get3A_182 = tpu.vector_load %arg13[%get3A_180, %get3A_181] {strides = array<i32>} : memref<50x320xf32, #tpu.memory_space<vmem>>, vector<16xf32>,
        %get3A_183 = arith.index_cast %scan3A_110 : i32 to index
        %get3A_184 = arith.constant 288 : index
        %get3A_185 = tpu.vector_load %arg13[%get3A_183, %get3A_184] {strides = array<i32>} : memref<50x320xf32, #tpu.memory_space<vmem>>, vector<16xf32>,
        %mul3A_186 = arith.mulf %broadcast_in_dim3A_115, %get3A_182 : vector<16xf32>
        %add3A_187 = arith.addf %mul3A_186, %get3A_185 : vector<16xf32>
        %add3A_188 = arith.addf %add3A_187, %select_n3A : vector<16xf32>
        %get3A_189 = arith.index_cast %scan3A_110 : i32 to index
        %get3A_190 = arith.constant 144 : index
        %get3A_191 = tpu.vector_load %arg13[%get3A_189, %get3A_190] {strides = array<i32>} : memref<50x320xf32, #tpu.memory_space<vmem>>, vector<16xf32>,
        %get3A_192 = arith.index_cast %scan3A_110 : i32 to index
        %get3A_193 = arith.constant 304 : index
        %get3A_194 = tpu.vector_load %arg13[%get3A_192, %get3A_193] {strides = array<i32>} : memref<50x320xf32, #tpu.memory_space<vmem>>, vector<16xf32>,
        %mul3A_195 = arith.mulf %broadcast_in_dim3A_115, %get3A_191 : vector<16xf32>
        %add3A_196 = arith.addf %mul3A_195, %get3A_194 : vector<16xf32>
        %pack3A = tpu.pack_subelements %add3A_123, %add3A_131 {pack_format = #tpu.pack_format<interleaved>, positions = array<i32: 0, 1>} : vector<16xf32>, vector<16xf32> -> vector<32xbf16>
        %swap3A = arith.index_cast %scan3A_110 : i32 to index
        %swap3A_197 = arith.constant 0 : index
        %swap3A_198 = tpu.vector_load %arg15[%swap3A, %swap3A_197] {strides = array<i32>} : memref<50x160xbf16, #tpu.memory_space<vmem>>, vector<32xbf16>,
        tpu.vector_store %arg15[%swap3A, %swap3A_197], %pack3A {strides = array<i32>} : memref<50x160xbf16, #tpu.memory_space<vmem>>, vector<32xbf16>,
        %pack3A_199 = tpu.pack_subelements %add3A_139, %add3A_147 {pack_format = #tpu.pack_format<interleaved>, positions = array<i32: 0, 1>} : vector<16xf32>, vector<16xf32> -> vector<32xbf16>
        %swap3A_200 = arith.index_cast %scan3A_110 : i32 to index
        %swap3A_201 = arith.constant 32 : index
        %swap3A_202 = tpu.vector_load %arg15[%swap3A_200, %swap3A_201] {strides = array<i32>} : memref<50x160xbf16, #tpu.memory_space<vmem>>, vector<32xbf16>,
        tpu.vector_store %arg15[%swap3A_200, %swap3A_201], %pack3A_199 {strides = array<i32>} : memref<50x160xbf16, #tpu.memory_space<vmem>>, vector<32xbf16>,
        %pack3A_203 = tpu.pack_subelements %add3A_155, %add3A_163 {pack_format = #tpu.pack_format<interleaved>, positions = array<i32: 0, 1>} : vector<16xf32>, vector<16xf32> -> vector<32xbf16>
        %swap3A_204 = arith.index_cast %scan3A_110 : i32 to index
        %swap3A_205 = arith.constant 64 : index
        %swap3A_206 = tpu.vector_load %arg15[%swap3A_204, %swap3A_205] {strides = array<i32>} : memref<50x160xbf16, #tpu.memory_space<vmem>>, vector<32xbf16>,
        tpu.vector_store %arg15[%swap3A_204, %swap3A_205], %pack3A_203 {strides = array<i32>} : memref<50x160xbf16, #tpu.memory_space<vmem>>, vector<32xbf16>,
        %pack3A_207 = tpu.pack_subelements %add3A_171, %add3A_179 {pack_format = #tpu.pack_format<interleaved>, positions = array<i32: 0, 1>} : vector<16xf32>, vector<16xf32> -> vector<32xbf16>
        %swap3A_208 = arith.index_cast %scan3A_110 : i32 to index
        %swap3A_209 = arith.constant 96 : index
        %swap3A_210 = tpu.vector_load %arg15[%swap3A_208, %swap3A_209] {strides = array<i32>} : memref<50x160xbf16, #tpu.memory_space<vmem>>, vector<32xbf16>,
        tpu.vector_store %arg15[%swap3A_208, %swap3A_209], %pack3A_207 {strides = array<i32>} : memref<50x160xbf16, #tpu.memory_space<vmem>>, vector<32xbf16>,
        %pack3A_211 = tpu.pack_subelements %add3A_188, %add3A_196 {pack_format = #tpu.pack_format<interleaved>, positions = array<i32: 0, 1>} : vector<16xf32>, vector<16xf32> -> vector<32xbf16>
        %swap3A_212 = arith.index_cast %scan3A_110 : i32 to index
        %swap3A_213 = arith.constant 128 : index
        %swap3A_214 = tpu.vector_load %arg15[%swap3A_212, %swap3A_213] {strides = array<i32>} : memref<50x160xbf16, #tpu.memory_space<vmem>>, vector<32xbf16>,
        tpu.vector_store %arg15[%swap3A_212, %swap3A_213], %pack3A_211 {strides = array<i32>} : memref<50x160xbf16, #tpu.memory_space<vmem>>, vector<32xbf16>,
      }
      %scan3A_103 = arith.constant 50 : i32
      %dma_start3A_104 = arith.constant 0 : i32
      %dma_start3A_105 = tpu.memref_slice %arg10[%add3A_78, %dma_start3A_104] : memref<100x50xi32, #tpu.memory_space<vmem>> -> memref<1x50xi32, #tpu.memory_space<vmem>>
      %dma_start3A_106 = tpu.memref_squeeze %dma_start3A_105 : memref<1x50xi32, #tpu.memory_space<vmem>> -> memref<50xi32, #tpu.memory_space<vmem>>
      %dma_start3A_107 = arith.constant 0 : i32
      %dma_start3A_108 = arith.constant 0 : i32
      %dma_start3A_109 = tpu.memref_slice %arg8[%dma_start3A_107, %dma_start3A_108] : memref<10240x160xbf16, #tpu.memory_space<vmem_shared>> -> memref<10240x160xbf16, #tpu.memory_space<vmem_shared>>
      tpu.enqueue_indirect_dma source(%arg15 : memref<50x160xbf16, #tpu.memory_space<vmem>>) target(%dma_start3A_109 : memref<10240x160xbf16, #tpu.memory_space<vmem_shared>>) offsets(%dma_start3A_106 : memref<50xi32, #tpu.memory_space<vmem>>) semaphore(%arg18 : memref<!tpu.dma_semaphore, #tpu.memory_space<semaphore_mem>>) {add = true}
    }
    %scan3A_18 = arith.constant 50 : i32
    %dma_wait3A = arith.constant 100 : i32
    %dma_wait3A_19 = arith.constant 0 : i32
    %dma_wait3A_20 = tpu.memref_slice %arg9[%dma_wait3A, %dma_wait3A_19] : memref<101x50xi32, #tpu.memory_space<vmem>> -> memref<1x50xi32, #tpu.memory_space<vmem>>
    %dma_wait3A_21 = tpu.memref_squeeze %dma_wait3A_20 : memref<1x50xi32, #tpu.memory_space<vmem>> -> memref<50xi32, #tpu.memory_space<vmem>>
    %dma_wait3A_22 = arith.constant 0 : i32
    %dma_wait3A_23 = arith.constant 0 : i32
    %dma_wait3A_24 = tpu.memref_slice %arg2[%dma_wait3A_22, %dma_wait3A_23] : memref<10000x320xf32, #tpu.memory_space<hbm>> -> memref<10000x320xf32, #tpu.memory_space<hbm>>
    tpu.wait_indirect_dma semaphore(%arg16 : memref<!tpu.dma_semaphore, #tpu.memory_space<semaphore_mem>>) src(%dma_wait3A_24 : memref<10000x320xf32, #tpu.memory_space<hbm>>) dst(%arg12 : memref<50x320xf32, #tpu.memory_space<vmem>>)
    %dma_wait3A_25 = arith.constant 98 : i32
    %dma_wait3A_26 = arith.constant 0 : i32
    %dma_wait3A_27 = tpu.memref_slice %arg10[%dma_wait3A_25, %dma_wait3A_26] : memref<100x50xi32, #tpu.memory_space<vmem>> -> memref<1x50xi32, #tpu.memory_space<vmem>>
    %dma_wait3A_28 = tpu.memref_squeeze %dma_wait3A_27 : memref<1x50xi32, #tpu.memory_space<vmem>> -> memref<50xi32, #tpu.memory_space<vmem>>
    %dma_wait3A_29 = arith.constant 0 : i32
    %dma_wait3A_30 = arith.constant 0 : i32
    %dma_wait3A_31 = tpu.memref_slice %arg8[%dma_wait3A_29, %dma_wait3A_30] : memref<10240x160xbf16, #tpu.memory_space<vmem_shared>> -> memref<10240x160xbf16, #tpu.memory_space<vmem_shared>>
    tpu.wait_indirect_dma semaphore(%arg18 : memref<!tpu.dma_semaphore, #tpu.memory_space<semaphore_mem>>) src(%arg14 : memref<50x160xbf16, #tpu.memory_space<vmem>>) dst(%dma_wait3A_31 : memref<10240x160xbf16, #tpu.memory_space<vmem_shared>>)
    %dma_wait3A_32 = arith.constant 99 : i32
    %dma_wait3A_33 = arith.constant 0 : i32
    %dma_wait3A_34 = tpu.memref_slice %arg10[%dma_wait3A_32, %dma_wait3A_33] : memref<100x50xi32, #tpu.memory_space<vmem>> -> memref<1x50xi32, #tpu.memory_space<vmem>>
    %dma_wait3A_35 = tpu.memref_squeeze %dma_wait3A_34 : memref<1x50xi32, #tpu.memory_space<vmem>> -> memref<50xi32, #tpu.memory_space<vmem>>
    %dma_wait3A_36 = arith.constant 0 : i32
    %dma_wait3A_37 = arith.constant 0 : i32
    %dma_wait3A_38 = tpu.memref_slice %arg8[%dma_wait3A_36, %dma_wait3A_37] : memref<10240x160xbf16, #tpu.memory_space<vmem_shared>> -> memref<10240x160xbf16, #tpu.memory_space<vmem_shared>>
    tpu.wait_indirect_dma semaphore(%arg18 : memref<!tpu.dma_semaphore, #tpu.memory_space<semaphore_mem>>) src(%arg15 : memref<50x160xbf16, #tpu.memory_space<vmem>>) dst(%dma_wait3A_38 : memref<10240x160xbf16, #tpu.memory_space<vmem_shared>>)
    %barrier3A_39 = arith.constant 0 : index
    tpu.barrier barrier_id(%barrier3A_39)
    %mul3A_40 = arith.constant 640 : i32
    %mul3A_41 = arith.muli %arg1, %mul3A_40 : i32
    %mul3A_42 = arith.constant 640 : i32
    %mul3A_43 = arith.muli %arg1, %mul3A_42 : i32
    "tpu.region"() ({
      %run_scoped3A_44 = tpu.sem_alloc : memref<!tpu.dma_semaphore, #tpu.memory_space<semaphore_mem>>
      %dma_start3A_45 = arith.constant 0 : i32
      %dma_start3A_46 = tpu.memref_slice %arg7[%arg0, %mul3A_43, %dma_start3A_45] : memref<2x10240x160xbf16, #tpu.memory_space<hbm>> -> memref<1x640x160xbf16, #tpu.memory_space<hbm>>
      %dma_start3A_47 = tpu.memref_squeeze %dma_start3A_46 : memref<1x640x160xbf16, #tpu.memory_space<hbm>> -> memref<640x160xbf16, #tpu.memory_space<hbm>>
      %dma_start3A_48 = arith.constant 0 : i32
      %dma_start3A_49 = tpu.memref_slice %arg8[%mul3A_41, %dma_start3A_48] : memref<10240x160xbf16, #tpu.memory_space<vmem_shared>> -> memref<640x160xbf16, #tpu.memory_space<vmem_shared>>
      tpu.enqueue_dma source(%dma_start3A_49 : memref<640x160xbf16, #tpu.memory_space<vmem_shared>>) target(%dma_start3A_47 : memref<640x160xbf16, #tpu.memory_space<hbm>>) target_semaphore(%run_scoped3A_44 : memref<!tpu.dma_semaphore, #tpu.memory_space<semaphore_mem>>)
      %dma_wait3A_50 = arith.constant 0 : i32
      %dma_wait3A_51 = tpu.memref_slice %arg7[%arg0, %mul3A_43, %dma_wait3A_50] : memref<2x10240x160xbf16, #tpu.memory_space<hbm>> -> memref<1x640x160xbf16, #tpu.memory_space<hbm>>
      %dma_wait3A_52 = tpu.memref_squeeze %dma_wait3A_51 : memref<1x640x160xbf16, #tpu.memory_space<hbm>> -> memref<640x160xbf16, #tpu.memory_space<hbm>>
      %dma_wait3A_53 = arith.constant 0 : i32
      %dma_wait3A_54 = tpu.memref_slice %arg8[%mul3A_41, %dma_wait3A_53] : memref<10240x160xbf16, #tpu.memory_space<vmem_shared>> -> memref<640x160xbf16, #tpu.memory_space<vmem_shared>>
      tpu.wait_dma2 semaphore(%run_scoped3A_44 : memref<!tpu.dma_semaphore, #tpu.memory_space<semaphore_mem>>) src(%dma_wait3A_54 : memref<640x160xbf16, #tpu.memory_space<vmem_shared>>) dst(%dma_wait3A_52 : memref<640x160xbf16, #tpu.memory_space<hbm>>)
      tpu.yield
    }) : () -> ()
    return
  }
}

module attributes {stable_mosaic.version = 14 : i64} {
  func.func @_matmul_body(%arg0: i32, %arg1: memref<1000x300xf32, #tpu.memory_space<vmem>>, %arg2: memref<300x320xf32, #tpu.memory_space<vmem>>, %arg3: memref<1000x320xf32, #tpu.memory_space<vmem>>) attributes {dimension_semantics = [#tpu.dimension_semantics<arbitrary>], iteration_bounds = array<i64: 10>, scalar_prefetch = 0 : i64, scratch_operands = 0 : i64, tpu.core_type = #tpu.core_type<tc>, window_params = [{transform_indices = @transform_0, window_bounds = array<i64: 1000, 300>}, {pipeline_mode = #tpu.pipeline_mode<synchronous>, transform_indices = @transform_1, window_bounds = array<i64: 300, 320>}, {transform_indices = @transform_2, window_bounds = array<i64: 1000, 320>}]} {
    %get3A = arith.constant 0 : index
    %get3A_0 = arith.constant 0 : index
    %get3A_1 = vector.load %arg1[%get3A, %get3A_0] : memref<1000x300xf32, #tpu.memory_space<vmem>>, vector<1000x300xf32>
    %get3A_2 = arith.constant 0 : index
    %get3A_3 = arith.constant 0 : index
    %get3A_4 = vector.load %arg2[%get3A_2, %get3A_3] : memref<300x320xf32, #tpu.memory_space<vmem>>, vector<300x320xf32>
    %dot_general3A = arith.constant dense<0.000000e+00> : vector<1000x320xf32>
    %dot_general3A_5 = tpu.matmul %get3A_1, %get3A_4, %dot_general3A {dimension_numbers = #tpu.dot_dimension_numbers<[1], [0], [0], [1], [0, 0, 1, 1], [], []>, transpose_lhs_hint = false} : vector<1000x300xf32>, vector<300x320xf32>, vector<1000x320xf32> -> vector<1000x320xf32>
    %swap3A = arith.constant 0 : index
    %swap3A_6 = arith.constant 0 : index
    %swap3A_7 = vector.load %arg3[%swap3A, %swap3A_6] : memref<1000x320xf32, #tpu.memory_space<vmem>>, vector<1000x320xf32>
    tpu.vector_store %arg3[%swap3A, %swap3A_6], %dot_general3A_5 {strides = array<i32>} : memref<1000x320xf32, #tpu.memory_space<vmem>>, vector<1000x320xf32>,
    return
  }
  func.func @transform_0(%arg0: i32) -> (i32, i32) {
    %c0_i32 = arith.constant 0 : i32
    %c0_i32_0 = arith.constant 0 : i32
    return %arg0, %c0_i32 : i32, i32
  }
  func.func @transform_1(%arg0: i32) -> (i32, i32) {
    %c0_i32 = arith.constant 0 : i32
    %c0_i32_0 = arith.constant 0 : i32
    %c0_i32_1 = arith.constant 0 : i32
    return %c0_i32, %c0_i32_0 : i32, i32
  }
  func.func @transform_2(%arg0: i32) -> (i32, i32) {
    %c0_i32 = arith.constant 0 : i32
    %c0_i32_0 = arith.constant 0 : i32
    return %arg0, %c0_i32 : i32, i32
  }
}

module attributes {stable_mosaic.version = 14 : i64} {
  func.func @_finalize_body(%arg0: i32, %arg1: memref<2x1000x160xbf16, #tpu.memory_space<vmem>>, %arg2: memref<1x150xf32, #tpu.memory_space<vmem>>, %arg3: memref<1000x150xf32, #tpu.memory_space<vmem>>) attributes {dimension_semantics = [#tpu.dimension_semantics<arbitrary>], iteration_bounds = array<i64: 10>, scalar_prefetch = 0 : i64, scratch_operands = 0 : i64, tpu.core_type = #tpu.core_type<tc>, window_params = [{transform_indices = @transform_0, window_bounds = array<i64: 2, 1000, 160>}, {pipeline_mode = #tpu.pipeline_mode<synchronous>, transform_indices = @transform_1, window_bounds = array<i64: 1, 150>}, {transform_indices = @transform_2, window_bounds = array<i64: 1000, 150>}]} {
    %get3A = arith.constant 0 : index
    %get3A_0 = arith.constant 0 : index
    %get3A_1 = arith.constant 0 : index
    %get3A_2 = vector.load %arg1[%get3A, %get3A_0, %get3A_1] : memref<2x1000x160xbf16, #tpu.memory_space<vmem>>, vector<1x1000x160xbf16>
    %get3A_3 = vector.shape_cast %get3A_2 : vector<1x1000x160xbf16> to vector<1000x160xbf16>
    %convert_element_type3A = arith.extf %get3A_3 : vector<1000x160xbf16> to vector<1000x160xf32>
    %get3A_4 = arith.constant 1 : index
    %get3A_5 = arith.constant 0 : index
    %get3A_6 = arith.constant 0 : index
    %get3A_7 = vector.load %arg1[%get3A_4, %get3A_5, %get3A_6] : memref<2x1000x160xbf16, #tpu.memory_space<vmem>>, vector<1x1000x160xbf16>
    %get3A_8 = vector.shape_cast %get3A_7 : vector<1x1000x160xbf16> to vector<1000x160xbf16>
    %convert_element_type3A_9 = arith.extf %get3A_8 : vector<1000x160xbf16> to vector<1000x160xf32>
    %add3A = arith.addf %convert_element_type3A, %convert_element_type3A_9 : vector<1000x160xf32>
    %iota3A = tpu.iota {dimensions = array<i32: 1>} : vector<1000x160xi32>
    %eq3A = arith.constant 150 : i32
    %eq3A_10 = vector.broadcast %eq3A : i32 to vector<1000x160xi32>
    %eq3A_11 = arith.cmpi eq, %iota3A, %eq3A_10 : vector<1000x160xi32>
    %jit3A = arith.constant 0.000000e+00 : f32
    %broadcast_in_dim3A = vector.broadcast %jit3A : f32 to vector<1000x160xf32>
    %select_n3A = arith.select %eq3A_11, %add3A, %broadcast_in_dim3A : vector<1000x160xi1>, vector<1000x160xf32>
    %reduce_sum3A = arith.constant dense<0.000000e+00> : vector<1000xf32>
    %reduce_sum3A_12 = vector.multi_reduction <add>, %select_n3A, %reduce_sum3A [1] : vector<1000x160xf32> to vector<1000xf32>
    %broadcast_in_dim3A_13 = vector.shape_cast %reduce_sum3A_12 : vector<1000xf32> to vector<1000x1xf32>
    %max3A = arith.constant 1.000000e+00 : f32
    %max3A_14 = vector.broadcast %max3A : f32 to vector<1000x1xf32>
    %max3A_15 = arith.maximumf %broadcast_in_dim3A_13, %max3A_14 : vector<1000x1xf32>
    %slice3A = vector.extract_strided_slice %add3A {offsets = [0, 0], sizes = [1000, 150], strides = [1, 1]} : vector<1000x160xf32> to vector<1000x150xf32>
    %div3A = vector.broadcast %max3A_15 : vector<1000x1xf32> to vector<1000x150xf32>
    %div3A_16 = arith.divf %slice3A, %div3A : vector<1000x150xf32>
    %get3A_17 = arith.constant 0 : index
    %get3A_18 = arith.constant 0 : index
    %get3A_19 = vector.load %arg2[%get3A_17, %get3A_18] : memref<1x150xf32, #tpu.memory_space<vmem>>, vector<1x150xf32>
    %add3A_20 = vector.broadcast %get3A_19 : vector<1x150xf32> to vector<1000x150xf32>
    %add3A_21 = arith.addf %div3A_16, %add3A_20 : vector<1000x150xf32>
    %max3A_22 = arith.constant 0.000000e+00 : f32
    %max3A_23 = vector.broadcast %max3A_22 : f32 to vector<1000x150xf32>
    %max3A_24 = arith.maximumf %add3A_21, %max3A_23 : vector<1000x150xf32>
    %swap3A = arith.constant 0 : index
    %swap3A_25 = arith.constant 0 : index
    %swap3A_26 = vector.load %arg3[%swap3A, %swap3A_25] : memref<1000x150xf32, #tpu.memory_space<vmem>>, vector<1000x150xf32>
    tpu.vector_store %arg3[%swap3A, %swap3A_25], %max3A_24 {strides = array<i32>} : memref<1000x150xf32, #tpu.memory_space<vmem>>, vector<1000x150xf32>,
    return
  }
  func.func @transform_0(%arg0: i32) -> (i32, i32, i32) {
    %c0_i32 = arith.constant 0 : i32
    %c0_i32_0 = arith.constant 0 : i32
    %c0_i32_1 = arith.constant 0 : i32
    return %c0_i32, %arg0, %c0_i32_0 : i32, i32, i32
  }
  func.func @transform_1(%arg0: i32) -> (i32, i32) {
    %c0_i32 = arith.constant 0 : i32
    %c0_i32_0 = arith.constant 0 : i32
    %c0_i32_1 = arith.constant 0 : i32
    return %c0_i32, %c0_i32_0 : i32, i32
  }
  func.func @transform_2(%arg0: i32) -> (i32, i32) {
    %c0_i32 = arith.constant 0 : i32
    %c0_i32_0 = arith.constant 0 : i32
    return %arg0, %c0_i32 : i32, i32
  }
}

</mosaic_0001>

<sc_bundles>
// kernel: kernel.5.cloned.1.call-start
scs
__scs_entry_jumppad:
0x0: {  	(pc) =	sbr.rel $0x88, $3  }
0x1: {  	(tag) =	ssettag $0x0;
	lr =	simm.s32 $0x1  }
0x2: {  	[smem:$0x3F9B] =	sst lr;
	_ =	strace $0xD0000000  }
0x3: {  	_ = 	snop  }
0x4: {  	_ = 	snop  }
0x5: {  	_ = 	snop  }
0x6: {  	_ = 	snop  }
0x7: {  	_ = 	snop  }
__scs_overlays_trampoline_lowered:
0x8: {  	[smem:$0x3FAA] =	sst s0  }
0x9: {  	[smem:$0x3FAB] =	sst s1  }
0xa: {  	[smem:$0x3FAC] =	sst s2  }
0xb: {  	[smem:$0x3FAD] =	sst s3  }
0xc: {  	[smem:$0x3FAE] =	sst s4  }
0xd: {  	[smem:$0x3FAF] =	sst s5  }
0xe: {  	[smem:$0x3FB0] =	sst s6  }
0xf: {  	[smem:$0x3FB1] =	sst s7  }
0x10: {  	[smem:$0x3FB2] =	sst s8  }
0x11: {  	[smem:$0x3FB3] =	sst s9;
	s0 =	simm.s32 @!p0 $0x0  }
0x12: {  	s1 =	sld [smem:$0x3F99];
	s0 =	simm.s32 @p0 $0x1  }
0x13: {  	[smem:$0x3FB4] =	sst s0;
	s0 =	simm.s32 @!p1 $0x0  }
0x14: {  	s2 =	sld [smem:$0x3F98];
	s0 =	simm.s32 @p1 $0x1  }
0x15: {  	[smem:$0x3FB5] =	sst s0;
	s0 =	simm.s32 @!p2 $0x0  }
0x16: {  	s3 =	sld [smem:$0x3FDB];
	s0 =	simm.s32 @p2 $0x1  }
0x17: {  	s4 =	simm.s32 $0x1BF5;
	[smem:$0x3FB7] =	sst s0  }
0x18: {  	s0 =	sld [smem:$0x3F9A];
	_ =	swait.ge [sflag:s4], $0x0  }
0x19: {  	s7 =	sld [smem:$0x3F9B]  }
0x1a: {  	s8 =	sadd.s32 $0xFFFFE003, lr  }
0x1b: {  	s9 =	sadd.s32 $0xFFFFFEF7, lr;
	s5 =	simm.s32 $0xFFFFFFFF;
	p2 =	slt.u32 s8, $0xFFFFF086  }
0x1c: {  	p1 =	slt.u32 s9, $0xF7A;
	s5 =	simm.s32 @!p2 $0x0  }
0x1d: {  	s5 =	simm.s32 @p1 $0x1;
	p0 =	seq.s32 s7, s2  }
0x1e: {  	s7 =	smul.u32 @!p0 $0xF7A, s2;
	p2 =	seq.s32 @!p0 s5, $0x0  }
0x1f: {  	s9 =	smul.u32 $0xF7A, s1;
	s8 =	simm.s32 @!p0 $0x1BF5;
	p2 =	por !p2, p0  }
0x20: {  	[sflag:s8] =	ssyncset.s32 @!p0 $0xFFFFF086;
	s6 =	sadd.s32 @!p0 s3, s7;
	s7 =	simm.s32 @!p0 $0x108  }
0x21: {  	s3 =	sadd.s32 s3, s9;
	s6 =	sadd.s32 @!p0 $0x88, s6;
	s7 =	simm.s32 @p2 $0x1082  }
0x22: {  	[simem:s7], [sflag:s8] =	dma.local @!p0 [hbm:s6], $0xF7A  }
0x23: {  	s9 =	sor.u32 $0xD0000000, s2;
	s6 =	simm.s32 $0x108;
	_ =	swait.ge @!p0 [sflag:s8], $0x0  }
0x24: {  	s3 =	sadd.s32 $0x88, s3;
	s6 =	simm.s32 @!p1 $0x1082;
	[sflag:s4] =	ssyncset.s32 $0xFFFFF086  }
0x25: {  	[simem:s6], [sflag:s4] =	dma.local [hbm:s3], $0xF7A  }
0x26: {  	[smem:$0x3F9B] =	sst s1;
	(tag) =	ssettag s2;
	_ =	strace s9  }
0x27: {  	s1 =	sld [smem:$0x3FAB]  }
0x28: {  	s2 =	sld [smem:$0x3FAC]  }
0x29: {  	s4 =	sld [smem:$0x3FAE]  }
0x2a: {  	p0 =	seq.s32 s5, $0x0;
	s5 =	sld [smem:$0x3FAF]  }
0x2b: {  	s6 =	sld [smem:$0x3FB0]  }
0x2c: {  	s7 =	sld [smem:$0x3FB1]  }
0x2d: {  	s3 =	simm.s32 $0x108;
	s8 =	sld [smem:$0x3FB2]  }
0x2e: {  	s3 =	simm.s32 @!p0 $0x1082;
	s9 =	sld [smem:$0x3FB3]  }
0x2f: {  	lr =	sadd.s32 s0, s3;
	s0 =	sld [smem:$0x3FAA]  }
0x30: {  	s3 =	sld [smem:$0x3FAD]  }
0x31: {  	[smem:$0x3FB6] =	sst s10  }
0x32: {  	s10 =	sld [smem:$0x3FB4];
	_ =	sdelay $0x3  }
0x33: {  	p0 =	seq.s32 s10, $0x1;
	s10 =	sld [smem:$0x3FB6];
	_ =	sdelay $0x3  }
0x34: {  	[smem:$0x3FB6] =	sst s10  }
0x35: {  	s10 =	sld [smem:$0x3FB5];
	_ =	sdelay $0x3  }
0x36: {  	p1 =	seq.s32 s10, $0x1;
	s10 =	sld [smem:$0x3FB6];
	_ =	sdelay $0x3  }
0x37: {  	[smem:$0x3FB6] =	sst s10  }
0x38: {  	s10 =	sld [smem:$0x3FB7]  }
0x39: {  	_ = 	snop;
	(pc) =	sbr.ind lr, $3  }
0x3a: {  	_ = 	snop  }
0x3b: {  	_ = 	snop  }
0x3c: {  	p2 =	seq.s32 s10, $0x1;
	s10 =	sld [smem:$0x3FB6]  }
0x3d: {  	_ =	shalt  }
0x3e: {  	_ =	shalt  }
0x3f: {  	_ =	shalt  }
0x40: {  	_ =	shalt  }
0x41: {  	_ =	shalt  }
0x42: {  	_ =	shalt  }
0x43: {  	_ =	shalt  }
0x44: {  	_ =	shalt  }
0x45: {  	_ =	shalt  }
0x46: {  	_ =	shalt  }
0x47: {  	_ =	shalt  }
0x48: {  	_ =	shalt  }
0x49: {  	_ =	shalt  }
0x4a: {  	_ =	shalt  }
0x4b: {  	_ =	shalt  }
0x4c: {  	_ =	shalt  }
0x4d: {  	_ =	shalt  }
0x4e: {  	_ =	shalt  }
0x4f: {  	_ =	shalt  }
0x50: {  	_ =	shalt  }
0x51: {  	_ =	shalt  }
0x52: {  	_ =	shalt  }
0x53: {  	_ =	shalt  }
0x54: {  	_ =	shalt  }
0x55: {  	_ =	shalt  }
0x56: {  	_ =	shalt  }
0x57: {  	_ =	shalt  }
0x58: {  	_ =	shalt  }
0x59: {  	_ =	shalt  }
0x5a: {  	_ =	shalt  }
0x5b: {  	_ =	shalt  }
0x5c: {  	_ =	shalt  }
0x5d: {  	_ =	shalt  }
0x5e: {  	_ =	shalt  }
0x5f: {  	_ =	shalt  }
0x60: {  	_ =	shalt  }
0x61: {  	_ =	shalt  }
0x62: {  	_ =	shalt  }
0x63: {  	_ =	shalt  }
0x64: {  	_ =	shalt  }
0x65: {  	_ =	shalt  }
0x66: {  	_ =	shalt  }
0x67: {  	_ =	shalt  }
0x68: {  	_ =	shalt  }
0x69: {  	_ =	shalt  }
0x6a: {  	_ =	shalt  }
0x6b: {  	_ =	shalt  }
0x6c: {  	_ =	shalt  }
0x6d: {  	_ =	shalt  }
0x6e: {  	_ =	shalt  }
0x6f: {  	_ =	shalt  }
0x70: {  	_ =	shalt  }
0x71: {  	_ =	shalt  }
0x72: {  	_ =	shalt  }
0x73: {  	_ =	shalt  }
0x74: {  	_ =	shalt  }
0x75: {  	_ =	shalt  }
0x76: {  	_ =	shalt  }
0x77: {  	_ =	shalt  }
0x78: {  	_ =	shalt  }
0x79: {  	_ =	shalt  }
0x7a: {  	_ =	shalt  }
0x7b: {  	_ =	shalt  }
0x7c: {  	_ =	shalt  }
0x7d: {  	_ =	shalt  }
0x7e: {  	_ =	shalt  }
0x7f: {  	_ =	shalt  }
0x80: {  	_ =	shalt  }
0x81: {  	_ =	shalt  }
0x82: {  	_ =	shalt  }
0x83: {  	_ =	shalt  }
0x84: {  	_ =	shalt  }
0x85: {  	_ =	shalt  }
0x86: {  	_ =	shalt  }
0x87: {  	_ =	shalt  }
.Lfunc_end0:
.L_simem_size_0:
called_computation_lowered:
.L_overlay_start_0:
0x88: {  	s2 =	sld [smem:$0x3FD9]  }
0x89: {  	s3 =	sld [smem:$0x3FFE];
	_ =	sdelay $0x1  }
0x8a: {  	s1 =	srdreg.scid  }
0x8b: {  	s0 =	sand.u32 $0x1, s1  }
0x8c: {  	s17 =	sshll.u32 s0, $0xA;
	s2 =	sadd.s32 s3, s2  }
0x8d: {  	s2 =	sadd.s32 s2, s17  }
0x8e: {  	[smem:$0x3FC2] =	sst s2  }
0x8f: {  	_ = 	snop  }
0x90: {  	s2 =	sld [smem:$0x3FD0];
	(tm) =	ssettm $0x1  }
0x91: {  	s18 =	sld [smem:$0x3FFB];
	_ =	sdelay $0x3  }
0x92: {  	_ =	strace s18  }
0x93: {  	s3 =	sld [smem:$0x3FFC];
	_ =	sdelay $0x3  }
0x94: {  	_ =	strace s3  }
0x95: {  	s3 =	sld [smem:$0x3FFD];
	_ =	sdelay $0x3  }
0x96: {  	_ =	strace s3  }
0x97: {  	_ =	strace $0x8FFFFFFF  }
0x98: {  	s19 =	sld [smem:$0x3FDB];
	_ =	sdelay $0x1  }
0x99: {  	s4 =	simm.s32 $_scs_section_size  }
0x9a: {  	s5 =	simm.s32 $_size__tile_overlayer_lowered;
	s6 =	simm.s32 $_tile_overlayer_lowered  }
0x9b: {  	s22 =	simm.s32 $0x1BFF;
	s21 =	sshll.u32 s6, $0x1;
	s3 =	sadd.s32 s4, s19  }
0x9c: {  	s7 =	simm.s32 $0x0;
	s20 =	sshll.u32 s5, $0x1;
	s5 =	sadd.s32 s21, s3  }
0x9d: {  	[timem:s7], [sflag:s22] =	dma.local [hbm:s5], s20  }
0x9e: {  	_ =	swait.ge [sflag:s22], s20  }
0x9f: {  	s4 =	ssub.s32 $0x0, s20;
	[sflag:s22] =	ssyncset.done $0x0  }
0xa0: {  	[sflag:s22] =	ssyncadd.s32 s4;
	_ =	sdelay $0x1  }
0xa1: {  	s23 =	simm.s32 $0x1B8B  }
0xa2: {  	_ =	swait.ge [sflag:s23], $0x1  }
0xa3: {  	[sflag:s23] =	ssyncset.done $0x0  }
0xa4: {  	s25 =	simm.s32 $0x1B8E;
	s24 =	sld [smem:$0x3FFE];
	[sflag:s23] =	ssyncadd.s32 $0xFFFFFFFF  }
0xa5: {  	s26 =	simm.s32 $execute0_lowered;
	[smem:$0x3FD2] =	sst s25  }
0xa6: {  	s5 =	sshll.u32 s26, $0x1;
	_ =	strace $0x80000046;
	[dreg:$0x1] =	wrdreg $0xFFFFFFFF  }
0xa7: {  	s28 =	simm.s32 $_size_execute0_lowered;
	s3 =	sadd.s32 s3, s5;
	[dreg:$0x0] =	wrdreg $0x0  }
0xa8: {  	s5 =	sshll.u32 s28, $0x1;
	[dreg:$0x2] =	wrdreg s3  }
0xa9: {  	[dreg:$0x3] =	wrdreg s5  }
0xaa: {  	[dreg:$0x4] =	wrdreg $0xC0  }
0xab: {  	_ =	task [dreg:s7], $0x5FFFF  }
0xac: {  	[dreg:$0x1] =	wrdreg $0xFFFFFFFF  }
0xad: {  	[dreg:$0x0] =	wrdreg $0x60  }
0xae: {  	[dreg:$0x2] =	wrdreg s24  }
0xaf: {  	[dreg:$0x3] =	wrdreg s2  }
0xb0: {  	[dreg:$0x4] =	wrdreg $0x0  }
0xb1: {  	[dreg:$0x5] =	wrdreg $0x9  }
0xb2: {  	_ =	task.clear_ibuf [dreg:s7], $0x6FFFF;
	_ =	strace $0x90000046  }
0xb3: {  	s29 =	simm.s32 $0x9;
	_ =	strace $0x80000048  }
0xb4: {  	_ =	swait.ge [sflag:s29], $0x1  }
0xb5: {  	[sflag:s29] =	ssyncadd.s32 $0xFFFFFFFF  }
0xb6: {  	_ =	strace $0x90000048  }
0xb7: {  	_ =	sfence  }
0xb8: {  	s30 =	sld [smem:$0x0];
	_ =	sdelay $0x2  }
0xb9: {  	s31 =	sshll.u32 s1, $0xD;
	s1 =	sshrl.u32 s1, $0x2  }
0xba: {  	s3 =	sand.u32 $0x4000, s31;
	s1 =	sadd.s32 s1, s30  }
0xbb: {  	s0 =	sor.u32 s3, s0;
	s1 =	sshll.u32 s1, $0x11  }
0xbc: {  	s0 =	sor.u32 s1, s0  }
0xbd: {  	s0 =	sadd.s32 $0x8F2B, s0  }
0xbe: {  	[sflag:s0] =	ssyncadd.remote.s32 $0x1  }
0xbf: {  	_ =	sfence.sel $0xFFFF  }
0xc0: {  	[dreg:$0x0] =	wrdreg $0xFFFFFFFF;
	(pc) =	sbr.abs _section_cstart, $3  }
0xc1: {  	[dreg:$0x1] =	wrdreg $0xFFFFFFFF  }
0xc2: {  	_ =	task.clear_ibuf [dreg:s7], $0x2FFFF;
	_ =	strace $0x9FFFFFFF  }
0xc3: {  	(tm) =	ssettm $0x7FFFFFFF  }
tec
execute0_lowered:
.L_overlay_start_1:
0x0: {  	(tag) =	ssettag $0x1  }
0x1: {  	s2 =	rddreg [dreg:$0x0]  }
0x2: {  	s0 =	srdreg.scid;
	s5 =	rddreg [dreg:$0x1]  }
0x3: {  	s11 =	stileid.u32;
	s3 =	rddreg [dreg:$0x2];
	s4 =	simm.s32 $0x0  }
0x4: {  	s13 =	simm.s32 $0x4;
	s17 =	simm.s32 $0x32;
	s18 =	simm.s32 $0x10790  }
0x5: {  	s19 =	simm.s32 $0x1;
	s20 =	simm.s32 $0x14610;
	s21 =	simm.s32 $0x18490  }
0x6: {  	s22 =	simm.s32 $0x2;
	s23 =	simm.s32 $0x19430;
	s24 =	simm.s32 $0x3  }
0x7: {  	s25 =	simm.s32 $0x0;
	s0 =	sand.u32 $0x1, s0;
	s6 =	smul.u32 $0x19000, s11  }
0x8: {  	[smem:$0x7FF] =	sst s4;
	s10 =	sadd.s32 $0x67400, s2;
	s1 =	sshll.u32 s0, $0x4  }
0x9: {  	s31 =	sshll.u32 s11, $0x6;
	s8 =	smul.u32 $0x190000, s0;
	s1 =	sor.u32 s11, s1  }
0xa: {  	_ =	strace $0x80000047;
	s0 =	ssub.s32 $0x2, s0;
	s7 =	smul.u32 $0x2BC, s1  }
0xb: {  	[dreg:$0x4] =	wrdreg s10;
	s30 =	sshrl.u32 s0, $0x1;
	s1 =	smul.u32 $0x271, s1  }
0xc: {  	s8 =	sadd.s32 s6, s8;
	s0 =	ssub.s32 s0, s30;
	s6 =	sshrl.u32 s6, $0x1  }
0xd: {  	s8 =	sshrl.u32 s8, $0x4;
	s12 =	sadd.s32 s6, s3;
	s6 =	sor.u32 $0x1C04, s31  }
0xe: {  	s11 =	smax.u32 s0, $0x1;
	s9 =	sadd.s32 s7, s2;
	s1 =	sadd.s32 s1, s2  }
0xf: {  	v0 =	vimm.f32 $0.0e+00;
	vm0 =	vcmask $0x2F2C;
	s29 =	sadd.s32 s8, s2;
	s7 =	sadd.s32 s5, s7;
	s12 =	sshrl.u32 s12, $0x3  }
0x10: {  	v0 =	vsel vm0, $0x3F800000, v0;
	s8 =	sadd.s32 $0x61C00, s9;
	s9 =	sadd.s32 $0x68E00, s1;
	s10 =	sadd.s32 $0x6DE00, s29  }
.LBB2_1:
0x11: {  	s0 =	rddreg [dreg:$0x4]  }
0x12: {  	[spmem:s12], [sflag:s6] =	dma.local [hbm:s0], $0x1900  }
0x13: {  	_ =	swait.ge [sflag:s13], $0x1900  }
0x14: {  	[sflag:s13] =	ssyncset.done $0x0  }
0x15: {  	s30 =	simm.s32 $0xC800;
	[sflag:s13] =	ssyncadd.s32 $0xFFFFE700  }
0x16: {  	[tilespmem:s30], [sflag:$0x4] =	stream.linear.gather [hbm4b:s7+s4], $0x15E0, $0x38;
	[tilespmem:$0x1A3D0] =	vst v63  }
0x17: {  	_ =	swait.ge [sflag:s13], $0x15E0  }
0x18: {  	[sflag:s13] =	ssyncset.done $0x0  }
0x19: {  	s1 =	simm.s32 $0xDDE0;
	[sflag:s13] =	ssyncadd.s32 $0xFFFFEA20  }
0x1a: {  	[tilespmem:s1], [sflag:$0x4] =	stream.linear.gather [hbm4b:s7+s4], $0x38, $0x38;
	[tilespmem:$0x1A3D0] =	vst v63  }
0x1b: {  	_ =	swait.ge [sflag:s13], $0x38  }
0x1c: {  	[sflag:s13] =	ssyncset.done $0x0  }
0x1d: {  	s31 =	simm.s32 $0xDE18;
	[sflag:s13] =	ssyncadd.s32 $0xFFFFFFC8  }
0x1e: {  	[tilespmem:s31], [sflag:$0x4] =	stream.linear.gather [hbm4b:s8+s4], $0x15E0, $0x38;
	[tilespmem:$0x1A3D0] =	vst v63  }
0x1f: {  	_ =	swait.ge [sflag:s13], $0x15E0  }
0x20: {  	[sflag:s13] =	ssyncset.done $0x0  }
0x21: {  	s26 =	simm.s32 $0xF3F8;
	[sflag:s13] =	ssyncadd.s32 $0xFFFFEA20  }
0x22: {  	[tilespmem:s26], [sflag:$0x4] =	stream.linear.gather [hbm4b:s9+s4], $0x1388, $0x38;
	[tilespmem:$0x1A3D0] =	vst v63  }
0x23: {  	_ =	swait.ge [sflag:s13], $0x1388  }
0x24: {  	[sflag:s13] =	ssyncset.done $0x0  }
0x25: {  	[sflag:s13] =	ssyncadd.s32 $0xFFFFEC78  }
0x26: {  	s28 =	simm.s32 $0xF42A;
	s29 =	simm.s32 $0x0;
	[bflag:$0x0] =	sbarrier.arrive $0xFFFF  }
0x27: {  	[tilespmem:s18], [sflag:$0x1] =	stream.indirect.gather [hbm4b:s2+s17], $0x140, s30, s17, $0xb8;
	[tilespmem:$0x1A3D0] =	vst v63  }
.LBB2_2:
0x28: {  	s0 =	sshllo.u32 s29, $0x1  }
0x29: {  	_ =	swait.ge [sflag:s19], $0x3E80;
	s30 =	smul.u32 $0x38, s0  }
0x2a: {  	[sflag:s19] =	ssyncset.done $0x0  }
0x2b: {  	p0 =	seq.s32 s29, $0x0;
	[sflag:s19] =	ssyncadd.s32 $0xFFFFC180;
	s0 =	sadd.s32 $0xC800, s30  }
0x2c: {  	[tilespmem:s20], [sflag:$0x2] =	stream.indirect.gather [hbm4b:s2+s17], $0x140, s0, s17, $0xb8;
	[tilespmem:$0x1A3D0] =	vst v63  }
0x2d: {  	s0 =	simm.s32 @!p0 $0x3  }
0x2e: {  	_ =	swait.ge @!p0 [sflag:s0], $0xFA0  }
0x2f: {  	[sflag:s0] =	ssyncset.done @!p0 $0x0  }
0x30: {  	s1 =	simm.s32 $0x10830;
	[sflag:s0] =	ssyncadd.s32 @!p0 $0xFFFFF060  }
0x31: {  	v2 =	vld [tilespmem:s1+$0x10]  }
0x32: {  	v5 =	vld [tilespmem:s1+$0x80]  }
0x33: {  	v1 =	vld [tilespmem:s1+$0x70]  }
0x34: {  	v6 =	vld [tilespmem:s1+$0xFFFFFFA0]  }
0x35: {  	v4 =	vld [tilespmem:s1+$0xFFFFFFD0]  }
0x36: {  	v7 =	vld [tilespmem:s1+$0xFFFFFF70]  }
0x37: {  	s15 =	simm.s32 $0x4;
	s5 =	sadd.s32 $0x0, s26;
	v3 =	vld [tilespmem:s1+$0xFFFFFFF0]  }
0x38: {  	s16 =	simm.s32 $0x10830;
	s31 =	simm.s32 $0x184B0;
	s0 =	simm.s32 $0x184B0;
	v8 =	vld [tilespmem:s1+$0xFFFFFFE0]  }
.LBB2_3:
0x39: {  	p1 =	sne.s32 s15, $0xC4;
	v9 =	vld [tilespmem:s1+$0xFFFFFF90];
	s0 =	sadd.s32 $0x50, s0;
	s16 =	sadd.s32 $0x140, s16  }
0x3a: {  	s14 =	smov.u32 s15;
	s15 =	sadd.s32 $0x4, s15;
	v10 =	vld [tilespmem:s1+$0xFFFFFF80]  }
0x3b: {  	v11 =	vld [tilespmem:s1+$0xFFFFFFB0]  }
0x3c: {  	v12 =	vld.msk [tilespmem:s5+$0x0 ss:$0x0], $0xffff  }
0x3d: {  	v13 =	vld [tilespmem:s1+$0xFFFFFFC0]  }
0x3e: {  	v14 =	vld [tilespmem:s1+$0x50]  }
0x3f: {  	v15 =	vld [tilespmem:s1+$0x30]  }
0x40: {  	v16 =	vld [tilespmem:s1+$0xFFFFFF60]  }
0x41: {  	v17 =	vld [tilespmem:s1+$0x20]  }
0x42: {  	v7 =	vmul.f32 v7, v12;
	v8 =	vmul.f32 v8, v12;
	v18 =	vld [tilespmem:s1+$0x0]  }
0x43: {  	v10 =	vmul.f32 v10, v12;
	v9 =	vmul.f32 v9, v12;
	v19 =	vld [tilespmem:s1+$0x40]  }
0x44: {  	v6 =	vmul.f32 v6, v12;
	v11 =	vmul.f32 v11, v12;
	v5 =	vadd.f32 v5, v8;
	v20 =	vld [tilespmem:s1+$0x60]  }
0x45: {  	v13 =	vmul.f32 v13, v12;
	v9 =	vadd.f32 v15, v9;
	v8 =	vmul.f32 v16, v12;
	v15 =	vld [tilespmem:s1+$0x90];
	s1 =	smov.u32 s16  }
0x46: {  	v4 =	vmul.f32 v4, v12;
	v11 =	vadd.f32 v14, v11;
	v10 =	vadd.f32 v17, v10  }
0x47: {  	s5 =	sshra.s32 s14, $0x2;
	v2 =	vadd.f32 v2, v7;
	v8 =	vadd.f32 v18, v8  }
0x48: {  	s5 =	sadd.s32 s5, s26;
	v3 =	vmul.f32 v3, v12;
	v6 =	vadd.f32 v19, v6;
	v7 =	vpack.i.f32.bf16 v9, v10  }
0x49: {  	v1 =	vadd.f32 v1, v4;
	v9 =	vadd.f32 v20, v13;
	v2 =	vpack.i.f32.bf16 v2, v8;
	[tilespmem:s31+$0xFFFFFFF0] =	vst v7  }
0x4a: {  	v4 =	vadd.f32 v0, v5;
	v3 =	vadd.f32 v15, v3;
	[tilespmem:s31+$0xFFFFFFE0] =	vst v2;
	v2 =	vpack.i.f32.bf16 v11, v6  }
0x4b: {  	[tilespmem:s31+$0x0] =	vst v2;
	v1 =	vpack.i.f32.bf16 v1, v9  }
0x4c: {  	[tilespmem:s31+$0x10] =	vst v1;
	v1 =	vpack.i.f32.bf16 v3, v4  }
0x4d: {  	[tilespmem:s31+$0x20] =	vst v1;
	s31 =	smov.u32 s0  }
0x4e: {  	v2 =	vld [tilespmem:s16+$0x10]  }
0x4f: {  	v5 =	vld [tilespmem:s16+$0x80]  }
0x50: {  	v1 =	vld [tilespmem:s16+$0x70]  }
.Ltmp0:
0x51: {  	v6 =	vld [tilespmem:s16+$0xFFFFFFA0];
	(pc) =	sbr.rel @p1 .LBB2_3-.Ltmp0, $4  }
0x52: {  	v4 =	vld [tilespmem:s16+$0xFFFFFFD0]  }
0x53: {  	v7 =	vld [tilespmem:s16+$0xFFFFFF70]  }
0x54: {  	v3 =	vld [tilespmem:s16+$0xFFFFFFF0]  }
0x55: {  	v8 =	vld [tilespmem:s16+$0xFFFFFFE0]  }
0x56: {  	v9 =	vld [tilespmem:s1+$0xFFFFFF90]  }
0x57: {  	v10 =	vld [tilespmem:s1+$0xFFFFFF80]  }
0x58: {  	v11 =	vld [tilespmem:s1+$0xFFFFFFB0]  }
0x59: {  	v12 =	vld.msk [tilespmem:s5+$0x0 ss:$0x0], $0xffff  }
0x5a: {  	v13 =	vld [tilespmem:s1+$0xFFFFFFC0]  }
0x5b: {  	v14 =	vld [tilespmem:s1+$0x50]  }
0x5c: {  	v15 =	vld [tilespmem:s1+$0x30]  }
0x5d: {  	v16 =	vld [tilespmem:s1+$0xFFFFFF60]  }
0x5e: {  	v17 =	vld [tilespmem:s1+$0x20]  }
0x5f: {  	v18 =	vld [tilespmem:s1+$0x0];
	v7 =	vmul.f32 v7, v12;
	v8 =	vmul.f32 v8, v12  }
0x60: {  	v20 =	vld [tilespmem:s1+$0x60];
	v10 =	vmul.f32 v10, v12;
	v9 =	vmul.f32 v9, v12  }
0x61: {  	v19 =	vld [tilespmem:s1+$0x40];
	v6 =	vmul.f32 v6, v12;
	v11 =	vmul.f32 v11, v12  }
0x62: {  	v63 =	vld [tilespmem:s1+$0x90];
	v13 =	vmul.f32 v13, v12;
	v5 =	vadd.f32 v5, v8;
	v8 =	vmul.f32 v16, v12  }
0x63: {  	v4 =	vmul.f32 v4, v12;
	v9 =	vadd.f32 v15, v9;
	v10 =	vadd.f32 v17, v10  }
0x64: {  	v3 =	vmul.f32 v3, v12;
	v2 =	vadd.f32 v2, v7;
	v8 =	vadd.f32 v18, v8  }
0x65: {  	v1 =	vadd.f32 v1, v4;
	v7 =	vpack.i.f32.bf16 v9, v10;
	v9 =	vadd.f32 v20, v13  }
0x66: {  	v11 =	vadd.f32 v14, v11;
	v6 =	vadd.f32 v19, v6;
	[tilespmem:s31+$0xFFFFFFF0] =	vst v7;
	v2 =	vpack.i.f32.bf16 v2, v8  }
0x67: {  	s0 =	smul.u32 $0x1C0, s29;
	v3 =	vadd.f32 v63, v3;
	v4 =	vadd.f32 v0, v5;
	v1 =	vpack.i.f32.bf16 v1, v9;
	[tilespmem:s31+$0xFFFFFFE0] =	vst v2  }
0x68: {  	v2 =	vpack.i.f32.bf16 v11, v6;
	[tilespmem:s31+$0x10] =	vst v1  }
0x69: {  	s0 =	sshra.s32 s0, $0x2;
	v1 =	vpack.i.f32.bf16 v3, v4;
	[tilespmem:s31+$0x0] =	vst v2  }
0x6a: {  	s16 =	sadd.s32 $0xDE18, s0;
	[tilespmem:s31+$0x20] =	vst v1  }
0x6b: {  	[spmem:s3] =	stream.indirect.scatter.add.bf16 [tilespmem:s21], [sflag:$0x3], $0x50, s16, s17, $0xb8;
	[tilespmem:$0x1A3D0] =	vst v63  }
0x6c: {  	_ =	swait.ge [sflag:s22], $0x3E80  }
0x6d: {  	[sflag:s22] =	ssyncset.done $0x0  }
0x6e: {  	s0 =	sadd.s32 $0xC870, s0;
	[sflag:s22] =	ssyncadd.s32 $0xFFFFC180  }
0x6f: {  	[tilespmem:s18], [sflag:$0x1] =	stream.indirect.gather [hbm4b:s2+s17], $0x140, s0, s17, $0xb8;
	[tilespmem:$0x1A3D0] =	vst v63  }
0x70: {  	s0 =	simm.s32 @!p0 $0x3  }
0x71: {  	_ =	swait.ge @!p0 [sflag:s0], $0xFA0  }
0x72: {  	[sflag:s0] =	ssyncset.done @!p0 $0x0  }
0x73: {  	s1 =	simm.s32 $0x146B0;
	[sflag:s0] =	ssyncadd.s32 @!p0 $0xFFFFF060  }
0x74: {  	v2 =	vld [tilespmem:s1+$0x10]  }
0x75: {  	v5 =	vld [tilespmem:s1+$0x80]  }
0x76: {  	v1 =	vld [tilespmem:s1+$0x70]  }
0x77: {  	v6 =	vld [tilespmem:s1+$0xFFFFFFA0]  }
0x78: {  	v4 =	vld [tilespmem:s1+$0xFFFFFFD0]  }
0x79: {  	v7 =	vld [tilespmem:s1+$0xFFFFFF70]  }
0x7a: {  	s15 =	simm.s32 $0x4;
	s5 =	sadd.s32 $0x0, s28;
	v3 =	vld [tilespmem:s1+$0xFFFFFFF0]  }
0x7b: {  	s31 =	simm.s32 $0x19450;
	s16 =	simm.s32 $0x146B0;
	s0 =	simm.s32 $0x19450;
	v8 =	vld [tilespmem:s1+$0xFFFFFFE0]  }
.LBB2_5:
0x7c: {  	p0 =	sne.s32 s15, $0xC4;
	v9 =	vld [tilespmem:s1+$0xFFFFFF90];
	s0 =	sadd.s32 $0x50, s0;
	s16 =	sadd.s32 $0x140, s16  }
0x7d: {  	s14 =	smov.u32 s15;
	s15 =	sadd.s32 $0x4, s15;
	v10 =	vld [tilespmem:s1+$0xFFFFFF80]  }
0x7e: {  	v11 =	vld [tilespmem:s1+$0xFFFFFFB0]  }
0x7f: {  	v12 =	vld.msk [tilespmem:s5+$0x0 ss:$0x0], $0xffff  }
0x80: {  	v13 =	vld [tilespmem:s1+$0xFFFFFFC0]  }
0x81: {  	v14 =	vld [tilespmem:s1+$0x50]  }
0x82: {  	v15 =	vld [tilespmem:s1+$0x30]  }
0x83: {  	v16 =	vld [tilespmem:s1+$0xFFFFFF60]  }
0x84: {  	v17 =	vld [tilespmem:s1+$0x20]  }
0x85: {  	v7 =	vmul.f32 v7, v12;
	v8 =	vmul.f32 v8, v12;
	v18 =	vld [tilespmem:s1+$0x0]  }
0x86: {  	v10 =	vmul.f32 v10, v12;
	v9 =	vmul.f32 v9, v12;
	v19 =	vld [tilespmem:s1+$0x40]  }
0x87: {  	v6 =	vmul.f32 v6, v12;
	v11 =	vmul.f32 v11, v12;
	v5 =	vadd.f32 v5, v8;
	v20 =	vld [tilespmem:s1+$0x60]  }
0x88: {  	v13 =	vmul.f32 v13, v12;
	v9 =	vadd.f32 v15, v9;
	v8 =	vmul.f32 v16, v12;
	v15 =	vld [tilespmem:s1+$0x90];
	s1 =	smov.u32 s16  }
0x89: {  	v4 =	vmul.f32 v4, v12;
	v11 =	vadd.f32 v14, v11;
	v10 =	vadd.f32 v17, v10  }
0x8a: {  	s5 =	sshra.s32 s14, $0x2;
	v2 =	vadd.f32 v2, v7;
	v8 =	vadd.f32 v18, v8  }
0x8b: {  	s5 =	sadd.s32 s5, s28;
	v3 =	vmul.f32 v3, v12;
	v6 =	vadd.f32 v19, v6;
	v7 =	vpack.i.f32.bf16 v9, v10  }
0x8c: {  	v1 =	vadd.f32 v1, v4;
	v9 =	vadd.f32 v20, v13;
	v2 =	vpack.i.f32.bf16 v2, v8;
	[tilespmem:s31+$0xFFFFFFF0] =	vst v7  }
0x8d: {  	v4 =	vadd.f32 v0, v5;
	v3 =	vadd.f32 v15, v3;
	[tilespmem:s31+$0xFFFFFFE0] =	vst v2;
	v2 =	vpack.i.f32.bf16 v11, v6  }
0x8e: {  	[tilespmem:s31+$0x0] =	vst v2;
	v1 =	vpack.i.f32.bf16 v1, v9  }
0x8f: {  	[tilespmem:s31+$0x10] =	vst v1;
	v1 =	vpack.i.f32.bf16 v3, v4  }
0x90: {  	[tilespmem:s31+$0x20] =	vst v1;
	s31 =	smov.u32 s0  }
0x91: {  	v2 =	vld [tilespmem:s16+$0x10]  }
0x92: {  	v5 =	vld [tilespmem:s16+$0x80]  }
0x93: {  	v1 =	vld [tilespmem:s16+$0x70]  }
.Ltmp1:
0x94: {  	v6 =	vld [tilespmem:s16+$0xFFFFFFA0];
	(pc) =	sbr.rel @p0 .LBB2_5-.Ltmp1, $4  }
0x95: {  	v4 =	vld [tilespmem:s16+$0xFFFFFFD0]  }
0x96: {  	v7 =	vld [tilespmem:s16+$0xFFFFFF70]  }
0x97: {  	v3 =	vld [tilespmem:s16+$0xFFFFFFF0]  }
0x98: {  	v8 =	vld [tilespmem:s16+$0xFFFFFFE0]  }
0x99: {  	v9 =	vld [tilespmem:s1+$0xFFFFFF90]  }
0x9a: {  	v10 =	vld [tilespmem:s1+$0xFFFFFF80]  }
0x9b: {  	v11 =	vld [tilespmem:s1+$0xFFFFFFB0]  }
0x9c: {  	v12 =	vld.msk [tilespmem:s5+$0x0 ss:$0x0], $0xffff  }
0x9d: {  	v13 =	vld [tilespmem:s1+$0xFFFFFFC0]  }
0x9e: {  	v14 =	vld [tilespmem:s1+$0x50]  }
0x9f: {  	v15 =	vld [tilespmem:s1+$0x30]  }
0xa0: {  	v16 =	vld [tilespmem:s1+$0xFFFFFF60]  }
0xa1: {  	v17 =	vld [tilespmem:s1+$0x20]  }
0xa2: {  	v18 =	vld [tilespmem:s1+$0x0];
	v7 =	vmul.f32 v7, v12;
	v8 =	vmul.f32 v8, v12  }
0xa3: {  	v20 =	vld [tilespmem:s1+$0x60];
	v10 =	vmul.f32 v10, v12;
	v9 =	vmul.f32 v9, v12  }
0xa4: {  	v19 =	vld [tilespmem:s1+$0x40];
	v6 =	vmul.f32 v6, v12;
	v11 =	vmul.f32 v11, v12  }
0xa5: {  	v60 =	vld [tilespmem:s1+$0x90];
	v59 =	vmul.f32 v16, v12;
	v13 =	vmul.f32 v13, v12;
	v5 =	vadd.f32 v5, v8  }
0xa6: {  	v4 =	vmul.f32 v4, v12;
	v9 =	vadd.f32 v15, v9;
	v10 =	vadd.f32 v17, v10  }
0xa7: {  	v3 =	vmul.f32 v3, v12;
	v8 =	vadd.f32 v18, v59;
	v2 =	vadd.f32 v2, v7  }
0xa8: {  	s29 =	sadd.s32 $0x1, s29;
	v62 =	vadd.f32 v20, v13;
	v1 =	vadd.f32 v1, v4;
	v61 =	vpack.i.f32.bf16 v9, v10  }
0xa9: {  	p0 =	sne.s32 s29, $0x32;
	v11 =	vadd.f32 v14, v11;
	v6 =	vadd.f32 v19, v6;
	v2 =	vpack.i.f32.bf16 v2, v8;
	[tilespmem:s31+$0xFFFFFFF0] =	vst v61  }
.Ltmp2:
0xaa: {  	v3 =	vadd.f32 v60, v3;
	v63 =	vadd.f32 v0, v5;
	v1 =	vpack.i.f32.bf16 v1, v62;
	[tilespmem:s31+$0xFFFFFFE0] =	vst v2;
	(pc) =	sbr.rel @p0 .LBB2_2-.Ltmp2, $4  }
0xab: {  	v2 =	vpack.i.f32.bf16 v11, v6;
	[tilespmem:s31+$0x10] =	vst v1  }
0xac: {  	[tilespmem:s31+$0x0] =	vst v2;
	v1 =	vpack.i.f32.bf16 v3, v63  }
0xad: {  	s0 =	sadd.s32 $0xDE18, s30;
	s26 =	sadd.s32 $0x64, s26;
	s28 =	sadd.s32 $0x64, s28;
	[tilespmem:s31+$0x20] =	vst v1  }
0xae: {  	[spmem:s3] =	stream.indirect.scatter.add.bf16 [tilespmem:s23], [sflag:$0x3], $0x50, s0, s17, $0xb8;
	[tilespmem:$0x1A3D0] =	vst v63  }
0xaf: {  	_ =	swait.ge [sflag:s19], $0x3E80  }
0xb0: {  	[sflag:s19] =	ssyncset.done $0x0  }
0xb1: {  	[sflag:s19] =	ssyncadd.s32 $0xFFFFC180  }
0xb2: {  	_ =	swait.ge [sflag:s24], $0xFA0  }
0xb3: {  	[sflag:s24] =	ssyncset.done $0x0  }
0xb4: {  	[sflag:s24] =	ssyncadd.s32 $0xFFFFF060  }
0xb5: {  	_ =	swait.ge [sflag:s24], $0xFA0  }
0xb6: {  	s25 =	sadd.s32 $0x1, s25;
	[sflag:s24] =	ssyncset.done $0x0  }
0xb7: {  	p0 =	sne.s32 s25, s11;
	[sflag:s24] =	ssyncadd.s32 $0xFFFFF060  }
.Ltmp3:
0xb8: {  	[bflag:$0x0] =	sbarrier.arrive $0xFFFF;
	(pc) =	sbr.rel @p0 .LBB2_1-.Ltmp3, $4  }
0xb9: {  	[hbm:s10], [sflag:s6] =	dma.local [spmem:s12], $0x1900  }
0xba: {  	_ =	swait.ge [sflag:s13], $0x1900  }
0xbb: {  	[sflag:s13] =	ssyncset.done $0x0  }
0xbc: {  	[sflag:s13] =	ssyncadd.s32 $0xFFFFE700  }
0xbd: {  	_ =	sfence.sel $0x180000  }
0xbe: {  	[bflag:$0x0] =	sbarrier.arrive $0xFFFF  }
0xbf: {  	_ =	strace $0x90000047  }
0xc0: {  	s0 =	stileid.u32;
	[bflag:$0x2] =	sbarrier.arrive $0xFFFF  }
0xc1: {  	p0 =	sne.s32 s0, $0x0;
	s0 =	rddreg [dreg:$0x3]  }
0xc2: {  	s0 =	sadd.s32 @!p0 $0x100000, s0  }
0xc3: {  	[sflag:s0] =	ssyncadd.tile.s32 @!p0 $0x1;
	_ =	shalt  }
.Lfunc_end2:
_tile_overlayer_lowered:
.L_overlay_start_2:
0xc4: {  	(tag) =	ssettag $0x2  }
0xc5: {  	s0 =	rddreg [dreg:$0x0];
	s2 =	stileid.u32  }
0xc6: {  	s1 =	rddreg [dreg:$0x1];
	p0 =	sne.s32 s2, $0x0  }
0xc7: {  	s3 =	rddreg [dreg:$0x2];
	[bflag:$0x3] =	sbarrier.arrive $0xFFFF;
	s2 =	simm.s32 @!p0 $0x1C04  }
0xc8: {  	[timem:s3], [sflag:s2] =	dma.local @!p0 [hbm:s0], s1  }
0xc9: {  	s0 =	simm.s32 @!p0 $0x4  }
0xca: {  	_ =	swait.ge @!p0 [sflag:s0], s1  }
0xcb: {  	s1 =	ssub.s32 @!p0 $0x0, s1;
	[sflag:s0] =	ssyncset.done @!p0 $0x0  }
0xcc: {  	[sflag:s0] =	ssyncadd.s32 @!p0 s1  }
0xcd: {  	[bflag:$0x3] =	sbarrier.arrive $0xFFFF  }
0xce: {  	_ =	shalt  }

</sc_bundles>
